<compile_context>
chip_gen: v7x
topology: tpu7x:2x2x1
jax: 0.10.2.dev20260603
libtpu: 0.0.44.dev20260713+nightly
codegen_flags: <defaults>
</compile_context>

<pallas_src>
import functools

import jax
import jax.numpy as jnp
from jax import lax
from jax.experimental import pallas as pl
from jax.experimental.pallas import tpu as pltpu
from jax.experimental.pallas import tpu_sc as plsc

N_NODES = 10000
D = 128
NC, NS = 2, 16
NW = NC * NS
B_EDGE = 128
BROWS = B_EDGE // 128
DEN_ROWS = N_NODES // 16
DEN_PAD = 640


def _leaky(x):
    return jnp.where(x >= 0, x, 0.2 * x)


def _b16(v):
    return jnp.full((16,), v, jnp.int32)


def _enc_body(x_ref, wt_ref, as_ref, ad_ref, h_ref, asrc_ref, adst_ref):
    h = jnp.dot(x_ref[...], wt_ref[...], preferred_element_type=jnp.float32)
    h_ref[...] = h
    asrc_ref[...] = jnp.sum(h * as_ref[...][None, :], axis=1)
    adst_ref[...] = jnp.sum(h * ad_ref[...][None, :], axis=1)


def _encode(x, wt, att_s, att_d):
    return pl.pallas_call(
        _enc_body,
        out_shape=[
            jax.ShapeDtypeStruct((N_NODES, D), jnp.float32),
            jax.ShapeDtypeStruct((N_NODES,), jnp.float32),
            jax.ShapeDtypeStruct((N_NODES,), jnp.float32),
        ],
    )(x, wt, att_s, att_d)


def _pass1_body(h_hbm, src_hbm, dst_hbm, asrc_hbm, adst_hbm,
                acc_hbm, den_hbm, p_hbm,
                asrc_v, adst_v, idx_s, idx_d, pbuf, rows, den_priv, idxred,
                shared_acc, shared_den, sem, sem_s,
                *, nblocks, rows_per_w, e2):
    c = lax.axis_index("c")
    s = lax.axis_index("s")
    w = s * NC + c
    iota = jnp.arange(16, dtype=jnp.int32)
    fzero = jnp.zeros((16,), jnp.float32)

    def zden(i, _):
        den_priv[i, pl.ds(0, 16)] = fzero
        return 0
    lax.fori_loop(0, DEN_PAD, zden, 0)

    def zrow(r, _):
        for q in range(8):
            rows[r, pl.ds(q * 16, 16)] = fzero
        return 0
    lax.fori_loop(0, B_EDGE, zrow, 0)

    base_n = s * (N_NODES // NS)
    for k in range(4):
        pltpu.sync_copy(rows, shared_acc.at[pl.ds(base_n + k * 128, 128)])
    pltpu.sync_copy(rows.at[pl.ds(0, 113)],
                    shared_acc.at[pl.ds(base_n + 512, 113)])

    @pl.when(s == 0)
    def _():
        pltpu.sync_copy(den_priv, shared_den)

    for j in range(DEN_PAD // 128):
        def zidx(g, _, j=j):
            idxred[j, pl.ds(g * 16, 16)] = j * 128 + g * 16 + iota
            return 0
        lax.fori_loop(0, 8, zidx, 0)

    pltpu.sync_copy(asrc_hbm, asrc_v)
    pltpu.sync_copy(adst_hbm, adst_v)

    def mstep(i, m):
        return jnp.maximum(m, asrc_v[i, pl.ds(0, 16)])
    mv = lax.fori_loop(1, DEN_ROWS, mstep, asrc_v[0, pl.ds(0, 16)])
    for sh in (1, 2, 4, 8):
        mv = jnp.maximum(
            mv, mv.at[iota ^ sh].get(mode="promise_in_bounds"))
    amax = mv

    plsc.subcore_barrier()

    w_row0 = w * rows_per_w

    def blk(i, _):
        par = lax.bitwise_and(i, 1)
        base_row = w_row0 + i
        pltpu.sync_copy(src_hbm.at[pl.ds(base_row, 1)], idx_s)
        pltpu.sync_copy(dst_hbm.at[pl.ds(base_row, 1)],
                        idx_d.at[pl.ds(par, 1)])

        @pl.when(i > 0)
        def _():
            pltpu.make_async_copy(
                rows, shared_acc.at[pl.ds(0, B_EDGE)], sem_s).wait()
        cp = pltpu.async_copy(h_hbm.at[idx_s.at[0]], rows, sem)

        def grp(g, _):
            sv = idx_s[0, pl.ds(g * 16, 16)]
            dv = idx_d[par, pl.ds(g * 16, 16)]
            asv = plsc.load_gather(
                asrc_v,
                [lax.shift_right_logical(sv, 4), lax.bitwise_and(sv, 15)])
            adv = plsc.load_gather(
                adst_v,
                [lax.shift_right_logical(dv, 4), lax.bitwise_and(dv, 15)])
            e = _leaky(asv + adv)
            mh = _leaky(amax + adv)
            p = jnp.exp(e - mh)
            ge = base_row * 128 + g * 16 + iota
            p = jnp.where(ge < e2, p, 0.0)
            pbuf[0, pl.ds(g * 16, 16)] = p
            plsc.addupdate_scatter(
                den_priv,
                [lax.shift_right_logical(dv, 4), lax.bitwise_and(dv, 15)],
                p)
            return 0
        lax.fori_loop(0, 8, grp, 0)
        cp.wait()

        def scale(t, _):
            for u in range(4):
                r = t * 4 + u
                pj = plsc.load_gather(pbuf, [_b16(0), _b16(r)])
                for q in range(8):
                    rows[r, pl.ds(q * 16, 16)] = (
                        rows[r, pl.ds(q * 16, 16)] * pj)
            return 0
        lax.fori_loop(0, B_EDGE // 4, scale, 0)

        pltpu.async_copy(rows, shared_acc.at[idx_d.at[par]], sem_s, add=True)
        pltpu.sync_copy(pbuf, p_hbm.at[pl.ds(base_row, 1)])
        return 0
    lax.fori_loop(0, nblocks, blk, 0)
    pltpu.make_async_copy(rows, shared_acc.at[pl.ds(0, B_EDGE)], sem_s).wait()

    plsc.subcore_barrier()
    for j in range(DEN_PAD // 128):
        pltpu.sync_copy(den_priv.at[pl.ds(j * 128, 128)],
                        shared_den.at[idxred.at[j]], add=True)
    plsc.subcore_barrier()

    base_e = s * 624
    pltpu.sync_copy(shared_acc.at[pl.ds(base_e, 624)],
                    acc_hbm.at[c, pl.ds(base_e, 624)])

    @pl.when(s == 0)
    def _():
        pltpu.sync_copy(shared_acc.at[pl.ds(9984, 16)],
                        acc_hbm.at[c, pl.ds(9984, 16)])
        pltpu.sync_copy(shared_den.at[pl.ds(0, DEN_ROWS)], den_hbm.at[c])


def _pass1(h, srcp, dstp, a_src, a_dst, nblocks, rows_per_w, e2, e2p_rows):
    mesh = plsc.VectorSubcoreMesh(core_axis_name="c", subcore_axis_name="s")
    body = functools.partial(_pass1_body, nblocks=nblocks,
                             rows_per_w=rows_per_w, e2=e2)
    return pl.kernel(
        body,
        out_type=(
            jax.ShapeDtypeStruct((NC, N_NODES, D), jnp.float32),
            jax.ShapeDtypeStruct((NC, DEN_ROWS, 16), jnp.float32),
            jax.ShapeDtypeStruct((e2p_rows, 128), jnp.float32),
        ),
        mesh=mesh,
        compiler_params=pltpu.CompilerParams(needs_layout_passes=False, use_tc_tiling_on_sc=False),
        scratch_types=[
            pltpu.VMEM((DEN_ROWS, 16), jnp.float32),
            pltpu.VMEM((DEN_ROWS, 16), jnp.float32),
            pltpu.VMEM((BROWS, 128), jnp.int32),
            pltpu.VMEM((2, 128), jnp.int32),
            pltpu.VMEM((BROWS, 128), jnp.float32),
            pltpu.VMEM((B_EDGE, 128), jnp.float32),
            pltpu.VMEM((DEN_PAD, 16), jnp.float32),
            pltpu.VMEM((DEN_PAD // 128, 128), jnp.int32),
            pltpu.VMEM_SHARED((N_NODES, D), jnp.float32),
            pltpu.VMEM_SHARED((DEN_PAD, 16), jnp.float32),
            pltpu.SemaphoreType.DMA,
            pltpu.SemaphoreType.DMA,
        ],
    )(h, srcp, dstp, a_src, a_dst)


P2R = 41


def _pass2_body(dst_hbm, p_hbm, den_hbm, alpha_hbm,
                d0, dsum, idx_d, pbuf, abuf,
                *, nblocks, rows_per_w):
    c = lax.axis_index("c")
    s = lax.axis_index("s")
    w = s * NC + c
    pltpu.sync_copy(den_hbm.at[0], d0)
    pltpu.sync_copy(den_hbm.at[1], dsum)

    def addrow(i, _):
        dsum[i, pl.ds(0, 16)] = dsum[i, pl.ds(0, 16)] + d0[i, pl.ds(0, 16)]
        return 0
    lax.fori_loop(0, DEN_ROWS, addrow, 0)

    w_row0 = w * rows_per_w

    for i in range(rows_per_w // P2R):
        base_row = w_row0 + i * P2R
        pltpu.sync_copy(dst_hbm.at[pl.ds(base_row, P2R)], idx_d)
        pltpu.sync_copy(p_hbm.at[pl.ds(base_row, P2R)], pbuf)

        @plsc.parallel_loop(0, P2R * 8, unroll=4)
        def _grp(g):
            j = lax.shift_right_logical(g, 3)
            q = lax.bitwise_and(g, 7)
            dv = idx_d[j, pl.ds(q * 16, 16)]
            pv = pbuf[j, pl.ds(q * 16, 16)]
            den = plsc.load_gather(
                dsum,
                [lax.shift_right_logical(dv, 4), lax.bitwise_and(dv, 15)])
            abuf[j, pl.ds(q * 16, 16)] = pv / (den + 1e-16)
        pltpu.sync_copy(abuf, alpha_hbm.at[pl.ds(base_row, P2R)])


def _pass2(dstp, p, den, nblocks, rows_per_w, e2p_rows):
    mesh = plsc.VectorSubcoreMesh(core_axis_name="c", subcore_axis_name="s")
    body = functools.partial(_pass2_body, nblocks=nblocks,
                             rows_per_w=rows_per_w)
    return pl.kernel(
        body,
        out_type=jax.ShapeDtypeStruct((e2p_rows, 128), jnp.float32),
        mesh=mesh,
        compiler_params=pltpu.CompilerParams(needs_layout_passes=False, use_tc_tiling_on_sc=False),
        scratch_types=[
            pltpu.VMEM((DEN_ROWS, 16), jnp.float32),
            pltpu.VMEM((DEN_ROWS, 16), jnp.float32),
            pltpu.VMEM((P2R, 128), jnp.int32),
            pltpu.VMEM((P2R, 128), jnp.float32),
            pltpu.VMEM((P2R, 128), jnp.float32),
        ],
    )(dstp, p, den)


def _fin_body(acc_ref, den_ref, bias_ref, out_ref):
    a = acc_ref[0] + acc_ref[1]
    d = den_ref[0] + den_ref[1]
    r = 1.0 / (d + 1e-16)
    o = a * r[:, None] + bias_ref[...][None, :]
    out_ref[...] = jnp.where(o > 0, o, jnp.exp(jnp.minimum(o, 0.0)) - 1.0)


def _final(acc, den2, bias):
    return pl.pallas_call(
        _fin_body,
        out_shape=jax.ShapeDtypeStruct((N_NODES, D), jnp.float32),
    )(acc, den2, bias)


def kernel(x, edge_index, W, att_src, att_dst, bias):
    loop = jnp.arange(N_NODES, dtype=edge_index.dtype)
    src2 = jnp.concatenate([edge_index[0], loop])
    dst2 = jnp.concatenate([edge_index[1], loop])
    e2 = src2.shape[0]

    nblocks = pl.cdiv(e2, NW * B_EDGE)
    e2p = NW * B_EDGE * nblocks
    rows_per_w = (e2p // 128) // NW
    pad = e2p - e2
    srcp = jnp.concatenate([src2, jnp.zeros((pad,), src2.dtype)])
    dstp = jnp.concatenate([dst2, jnp.zeros((pad,), dst2.dtype)])
    srcp = srcp.reshape(e2p // 128, 128)
    dstp = dstp.reshape(e2p // 128, 128)

    h, a_src, a_dst = _encode(x, W.T, att_src, att_dst)
    acc, den, p = _pass1(h, srcp, dstp,
                         a_src.reshape(DEN_ROWS, 16), a_dst.reshape(DEN_ROWS, 16),
                         nblocks, rows_per_w, e2, e2p // 128)
    alpha_p = _pass2(dstp, p, den, nblocks, rows_per_w, e2p // 128)
    alpha = alpha_p.reshape(e2p)[:e2]
    out = _final(acc, den.reshape(NC, N_NODES), bias)
    new_edge_index = jnp.stack([src2, dst2])
    return out, new_edge_index, alpha

# --- scband reference (transcript-rebuilt; emitter-appended) ---
"""Pipeline reference for scband-gatencoder-36438502539674 (READ-ONLY COPY).

The authoritative reference and input builder live on the scoring server;
editing this copy changes nothing except your own understanding.
"""

import jax, jax.numpy as jnp
import numpy as np

N = 10000
E = 320000
D_IN = 128
D_OUT = 128


def setup_inputs(seed: int = 0) -> dict:
    key = jax.random.key(seed)
    k1, k2, k3, k4, k5 = jax.random.split(key, 5)
    x = jax.random.normal(k1, (N, D_IN), dtype=jnp.float32)
    edge_index = jax.random.randint(k2, (2, E), 0, N, dtype=jnp.int32)
    # GATConv params (heads=1): lin weight [out, in] (no bias), att_src/att_dst [out], output bias [out]
    W = jax.random.normal(k3, (D_OUT, D_IN), dtype=jnp.float32) * (1.0 / np.sqrt(D_IN))
    att_src = jax.random.normal(k4, (D_OUT,), dtype=jnp.float32) * (1.0 / np.sqrt(D_OUT))
    att_dst = jax.random.normal(k5, (D_OUT,), dtype=jnp.float32) * (1.0 / np.sqrt(D_OUT))
    bias = jnp.zeros((D_OUT,), dtype=jnp.float32)
    return {"x": x, "edge_index": edge_index, "W": W, "att_src": att_src, "att_dst": att_dst, "bias": bias}


def reference(x, edge_index, W, att_src, att_dst, bias):
    # PyG GATConv default: add self-loops, heads=1, leaky_relu slope 0.2, softmax over incoming edges
    src = edge_index[0]
    dst = edge_index[1]
    loop = jnp.arange(N, dtype=src.dtype)
    src = jnp.concatenate([src, loop])
    dst = jnp.concatenate([dst, loop])
    h = x @ W.T  # [N, D_OUT]
    a_src = h @ att_src  # [N]
    a_dst = h @ att_dst  # [N]
    e = jax.nn.leaky_relu(a_src[src] + a_dst[dst], negative_slope=0.2)  # [E+N]
    m = jax.ops.segment_max(e, dst, num_segments=N)
    e = jnp.exp(e - m[dst])
    denom = jax.ops.segment_sum(e, dst, num_segments=N)
    alpha = e / (denom[dst] + 1e-16)  # [E+N], heads=1 so mean over head dim is identity
    out = jax.ops.segment_sum(alpha[:, None] * h[src], dst, num_segments=N) + bias
    out = jax.nn.elu(out)
    new_edge_index = jnp.stack([src, dst])
    return out, new_edge_index, alpha

if __name__ == "__main__":
    import jax
    _d = setup_inputs()
    print(jax.jit(kernel)(*tuple(_d.values())))

</pallas_src>

<mosaic_0001>
#map = affine_map<(d0, d1) -> (0, 0)>
#map1 = affine_map<(d0, d1) -> (0, 0, 0)>
module attributes {stable_mosaic.version = 14 : i64} {
  func.func @_pass2_body(%arg0: i32, %arg1: i32, %arg2: memref<2592x128xi32, #tpu.memory_space<hbm>>, %arg3: memref<2592x128xf32, #tpu.memory_space<hbm>>, %arg4: memref<2x625x16xf32, #tpu.memory_space<hbm>>, %arg5: memref<2592x128xf32, #tpu.memory_space<hbm>>, %arg6: memref<625x16xf32, #tpu.memory_space<vmem>>, %arg7: memref<625x16xf32, #tpu.memory_space<vmem>>, %arg8: memref<41x128xi32, #tpu.memory_space<vmem>>, %arg9: memref<41x128xf32, #tpu.memory_space<vmem>>, %arg10: memref<41x128xf32, #tpu.memory_space<vmem>>) attributes {dimension_semantics = [#tpu.dimension_semantics<core_parallel>, #tpu.dimension_semantics<subcore_parallel>], iteration_bounds = array<i64: 2, 16>, scalar_prefetch = 0 : i64, scratch_operands = 5 : i64, tpu.core_type = #tpu.core_type<sc_vector_subcore>, window_params = [{transform_indices = #map}, {transform_indices = #map}, {transform_indices = #map1}, {transform_indices = #map}]} {
    %mul3A = arith.constant 2 : i32
    %mul3A_0 = arith.muli %arg1, %mul3A : i32
    %add3A = arith.addi %mul3A_0, %arg0 : i32
    %run_scoped3A = arith.constant 0 : i32
    "tpu.region"() ({
      %run_scoped3A_14 = tpu.sem_alloc : memref<!tpu.dma_semaphore, #tpu.memory_space<semaphore_mem>>
      %dma_start3A = arith.constant 0 : i32
      %dma_start3A_15 = arith.constant 0 : i32
      %dma_start3A_16 = tpu.memref_slice %arg4[%run_scoped3A, %dma_start3A, %dma_start3A_15] : memref<2x625x16xf32, #tpu.memory_space<hbm>> -> memref<1x625x16xf32, #tpu.memory_space<hbm>>
      %dma_start3A_17 = tpu.memref_squeeze %dma_start3A_16 : memref<1x625x16xf32, #tpu.memory_space<hbm>> -> memref<625x16xf32, #tpu.memory_space<hbm>>
      %dma_start3A_18 = arith.constant 0 : i32
      %dma_start3A_19 = arith.constant 0 : i32
      %dma_start3A_20 = tpu.memref_slice %arg4[%run_scoped3A, %dma_start3A_18, %dma_start3A_19] : memref<2x625x16xf32, #tpu.memory_space<hbm>> -> memref<1x625x16xf32, #tpu.memory_space<hbm>>
      %dma_start3A_21 = tpu.memref_squeeze %dma_start3A_20 : memref<1x625x16xf32, #tpu.memory_space<hbm>> -> memref<625x16xf32, #tpu.memory_space<hbm>>
      tpu.enqueue_dma source(%dma_start3A_21 : memref<625x16xf32, #tpu.memory_space<hbm>>) target(%arg6 : memref<625x16xf32, #tpu.memory_space<vmem>>) target_semaphore(%run_scoped3A_14 : memref<!tpu.dma_semaphore, #tpu.memory_space<semaphore_mem>>)
      %dma_wait3A = arith.constant 0 : i32
      %dma_wait3A_22 = arith.constant 0 : i32
      %dma_wait3A_23 = tpu.memref_slice %arg4[%run_scoped3A, %dma_wait3A, %dma_wait3A_22] : memref<2x625x16xf32, #tpu.memory_space<hbm>> -> memref<1x625x16xf32, #tpu.memory_space<hbm>>
      %dma_wait3A_24 = tpu.memref_squeeze %dma_wait3A_23 : memref<1x625x16xf32, #tpu.memory_space<hbm>> -> memref<625x16xf32, #tpu.memory_space<hbm>>
      %dma_wait3A_25 = arith.constant 0 : i32
      %dma_wait3A_26 = arith.constant 0 : i32
      %dma_wait3A_27 = tpu.memref_slice %arg4[%run_scoped3A, %dma_wait3A_25, %dma_wait3A_26] : memref<2x625x16xf32, #tpu.memory_space<hbm>> -> memref<1x625x16xf32, #tpu.memory_space<hbm>>
      %dma_wait3A_28 = tpu.memref_squeeze %dma_wait3A_27 : memref<1x625x16xf32, #tpu.memory_space<hbm>> -> memref<625x16xf32, #tpu.memory_space<hbm>>
      tpu.wait_dma2 semaphore(%run_scoped3A_14 : memref<!tpu.dma_semaphore, #tpu.memory_space<semaphore_mem>>) src(%dma_wait3A_28 : memref<625x16xf32, #tpu.memory_space<hbm>>) dst(%arg6 : memref<625x16xf32, #tpu.memory_space<vmem>>)
      tpu.yield
    }) : () -> ()
    %run_scoped3A_1 = arith.constant 1 : i32
    "tpu.region"() ({
      %run_scoped3A_14 = tpu.sem_alloc : memref<!tpu.dma_semaphore, #tpu.memory_space<semaphore_mem>>
      %dma_start3A = arith.constant 0 : i32
      %dma_start3A_15 = arith.constant 0 : i32
      %dma_start3A_16 = tpu.memref_slice %arg4[%run_scoped3A_1, %dma_start3A, %dma_start3A_15] : memref<2x625x16xf32, #tpu.memory_space<hbm>> -> memref<1x625x16xf32, #tpu.memory_space<hbm>>
      %dma_start3A_17 = tpu.memref_squeeze %dma_start3A_16 : memref<1x625x16xf32, #tpu.memory_space<hbm>> -> memref<625x16xf32, #tpu.memory_space<hbm>>
      %dma_start3A_18 = arith.constant 0 : i32
      %dma_start3A_19 = arith.constant 0 : i32
      %dma_start3A_20 = tpu.memref_slice %arg4[%run_scoped3A_1, %dma_start3A_18, %dma_start3A_19] : memref<2x625x16xf32, #tpu.memory_space<hbm>> -> memref<1x625x16xf32, #tpu.memory_space<hbm>>
      %dma_start3A_21 = tpu.memref_squeeze %dma_start3A_20 : memref<1x625x16xf32, #tpu.memory_space<hbm>> -> memref<625x16xf32, #tpu.memory_space<hbm>>
      tpu.enqueue_dma source(%dma_start3A_21 : memref<625x16xf32, #tpu.memory_space<hbm>>) target(%arg7 : memref<625x16xf32, #tpu.memory_space<vmem>>) target_semaphore(%run_scoped3A_14 : memref<!tpu.dma_semaphore, #tpu.memory_space<semaphore_mem>>)
      %dma_wait3A = arith.constant 0 : i32
      %dma_wait3A_22 = arith.constant 0 : i32
      %dma_wait3A_23 = tpu.memref_slice %arg4[%run_scoped3A_1, %dma_wait3A, %dma_wait3A_22] : memref<2x625x16xf32, #tpu.memory_space<hbm>> -> memref<1x625x16xf32, #tpu.memory_space<hbm>>
      %dma_wait3A_24 = tpu.memref_squeeze %dma_wait3A_23 : memref<1x625x16xf32, #tpu.memory_space<hbm>> -> memref<625x16xf32, #tpu.memory_space<hbm>>
      %dma_wait3A_25 = arith.constant 0 : i32
      %dma_wait3A_26 = arith.constant 0 : i32
      %dma_wait3A_27 = tpu.memref_slice %arg4[%run_scoped3A_1, %dma_wait3A_25, %dma_wait3A_26] : memref<2x625x16xf32, #tpu.memory_space<hbm>> -> memref<1x625x16xf32, #tpu.memory_space<hbm>>
      %dma_wait3A_28 = tpu.memref_squeeze %dma_wait3A_27 : memref<1x625x16xf32, #tpu.memory_space<hbm>> -> memref<625x16xf32, #tpu.memory_space<hbm>>
      tpu.wait_dma2 semaphore(%run_scoped3A_14 : memref<!tpu.dma_semaphore, #tpu.memory_space<semaphore_mem>>) src(%dma_wait3A_28 : memref<625x16xf32, #tpu.memory_space<hbm>>) dst(%arg7 : memref<625x16xf32, #tpu.memory_space<vmem>>)
      tpu.yield
    }) : () -> ()
    %scan3A = arith.constant 0 : i32
    %scan3A_2 = arith.constant 0 : i32
    %scan3A_3 = arith.constant 625 : i32
    %scan3A_4 = arith.addi %scan3A_2, %scan3A_3 : i32
    %scan3A_5 = arith.constant 1 : i32
    %scan3A_6 = scf.for %scan3A_14 = %scan3A_2 to %scan3A_4 step %scan3A_5 iter_args(%scan3A_15 = %scan3A) -> (i32)  : i32 {
      %get3A = arith.index_cast %scan3A_14 : i32 to index
      %get3A_16 = arith.constant 0 : index
      %get3A_17 = tpu.vector_load %arg7[%get3A, %get3A_16] {strides = array<i32>} : memref<625x16xf32, #tpu.memory_space<vmem>>, vector<16xf32>,
      %get3A_18 = arith.index_cast %scan3A_14 : i32 to index
      %get3A_19 = arith.constant 0 : index
      %get3A_20 = tpu.vector_load %arg6[%get3A_18, %get3A_19] {strides = array<i32>} : memref<625x16xf32, #tpu.memory_space<vmem>>, vector<16xf32>,
      %add3A_21 = arith.addf %get3A_17, %get3A_20 : vector<16xf32>
      %swap3A = arith.index_cast %scan3A_14 : i32 to index
      %swap3A_22 = arith.constant 0 : index
      %swap3A_23 = tpu.vector_load %arg7[%swap3A, %swap3A_22] {strides = array<i32>} : memref<625x16xf32, #tpu.memory_space<vmem>>, vector<16xf32>,
      tpu.vector_store %arg7[%swap3A, %swap3A_22], %add3A_21 {strides = array<i32>} : memref<625x16xf32, #tpu.memory_space<vmem>>, vector<16xf32>,
      %scan3A_24 = arith.constant 0 : i32
      scf.yield %scan3A_24 : i32
    }
    %scan3A_7 = arith.constant 625 : i32
    %mul3A_8 = arith.constant 81 : i32
    %mul3A_9 = arith.muli %add3A, %mul3A_8 : i32
    %add3A_10 = arith.constant 0 : i32
    %add3A_11 = arith.addi %mul3A_9, %add3A_10 : i32
    "tpu.region"() ({
      %run_scoped3A_14 = tpu.sem_alloc : memref<!tpu.dma_semaphore, #tpu.memory_space<semaphore_mem>>
      %dma_start3A = arith.constant 0 : i32
      %dma_start3A_15 = tpu.memref_slice %arg2[%add3A_11, %dma_start3A] : memref<2592x128xi32, #tpu.memory_space<hbm>> -> memref<41x128xi32, #tpu.memory_space<hbm>>
      %dma_start3A_16 = arith.constant 0 : i32
      %dma_start3A_17 = tpu.memref_slice %arg2[%add3A_11, %dma_start3A_16] : memref<2592x128xi32, #tpu.memory_space<hbm>> -> memref<41x128xi32, #tpu.memory_space<hbm>>
      tpu.enqueue_dma source(%dma_start3A_17 : memref<41x128xi32, #tpu.memory_space<hbm>>) target(%arg8 : memref<41x128xi32, #tpu.memory_space<vmem>>) target_semaphore(%run_scoped3A_14 : memref<!tpu.dma_semaphore, #tpu.memory_space<semaphore_mem>>)
      %dma_wait3A = arith.constant 0 : i32
      %dma_wait3A_18 = tpu.memref_slice %arg2[%add3A_11, %dma_wait3A] : memref<2592x128xi32, #tpu.memory_space<hbm>> -> memref<41x128xi32, #tpu.memory_space<hbm>>
      %dma_wait3A_19 = arith.constant 0 : i32
      %dma_wait3A_20 = tpu.memref_slice %arg2[%add3A_11, %dma_wait3A_19] : memref<2592x128xi32, #tpu.memory_space<hbm>> -> memref<41x128xi32, #tpu.memory_space<hbm>>
      tpu.wait_dma2 semaphore(%run_scoped3A_14 : memref<!tpu.dma_semaphore, #tpu.memory_space<semaphore_mem>>) src(%dma_wait3A_20 : memref<41x128xi32, #tpu.memory_space<hbm>>) dst(%arg8 : memref<41x128xi32, #tpu.memory_space<vmem>>)
      tpu.yield
    }) : () -> ()
    "tpu.region"() ({
      %run_scoped3A_14 = tpu.sem_alloc : memref<!tpu.dma_semaphore, #tpu.memory_space<semaphore_mem>>
      %dma_start3A = arith.constant 0 : i32
      %dma_start3A_15 = tpu.memref_slice %arg3[%add3A_11, %dma_start3A] : memref<2592x128xf32, #tpu.memory_space<hbm>> -> memref<41x128xf32, #tpu.memory_space<hbm>>
      %dma_start3A_16 = arith.constant 0 : i32
      %dma_start3A_17 = tpu.memref_slice %arg3[%add3A_11, %dma_start3A_16] : memref<2592x128xf32, #tpu.memory_space<hbm>> -> memref<41x128xf32, #tpu.memory_space<hbm>>
      tpu.enqueue_dma source(%dma_start3A_17 : memref<41x128xf32, #tpu.memory_space<hbm>>) target(%arg9 : memref<41x128xf32, #tpu.memory_space<vmem>>) target_semaphore(%run_scoped3A_14 : memref<!tpu.dma_semaphore, #tpu.memory_space<semaphore_mem>>)
      %dma_wait3A = arith.constant 0 : i32
      %dma_wait3A_18 = tpu.memref_slice %arg3[%add3A_11, %dma_wait3A] : memref<2592x128xf32, #tpu.memory_space<hbm>> -> memref<41x128xf32, #tpu.memory_space<hbm>>
      %dma_wait3A_19 = arith.constant 0 : i32
      %dma_wait3A_20 = tpu.memref_slice %arg3[%add3A_11, %dma_wait3A_19] : memref<2592x128xf32, #tpu.memory_space<hbm>> -> memref<41x128xf32, #tpu.memory_space<hbm>>
      tpu.wait_dma2 semaphore(%run_scoped3A_14 : memref<!tpu.dma_semaphore, #tpu.memory_space<semaphore_mem>>) src(%dma_wait3A_20 : memref<41x128xf32, #tpu.memory_space<hbm>>) dst(%arg9 : memref<41x128xf32, #tpu.memory_space<vmem>>)
      tpu.yield
    }) : () -> ()
    %parallel_loop3A = arith.constant 0 : i32
    %parallel_loop3A_12 = arith.constant 328 : i32
    %parallel_loop3A_13 = arith.constant 1 : i32
    scf.for %parallel_loop3A_14 = %parallel_loop3A to %parallel_loop3A_12 step %parallel_loop3A_13  : i32 {
      %parallel_loop3A_15 = arith.constant 3 : i32
      %parallel_loop3A_16 = arith.shrui %parallel_loop3A_14, %parallel_loop3A_15 : i32
      %parallel_loop3A_17 = arith.constant 7 : i32
      %parallel_loop3A_18 = arith.andi %parallel_loop3A_14, %parallel_loop3A_17 : i32
      %parallel_loop3A_19 = arith.constant 16 : i32
      %parallel_loop3A_20 = arith.muli %parallel_loop3A_18, %parallel_loop3A_19 : i32
      %parallel_loop3A_21 = arith.index_cast %parallel_loop3A_16 : i32 to index
      %parallel_loop3A_22 = arith.index_cast %parallel_loop3A_20 : i32 to index
      %parallel_loop3A_23 = tpu.vector_load %arg8[%parallel_loop3A_21, %parallel_loop3A_22] {strides = array<i32>} : memref<41x128xi32, #tpu.memory_space<vmem>>, vector<16xi32>,
      %parallel_loop3A_24 = arith.constant 16 : i32
      %parallel_loop3A_25 = arith.muli %parallel_loop3A_18, %parallel_loop3A_24 : i32
      %parallel_loop3A_26 = arith.index_cast %parallel_loop3A_16 : i32 to index
      %parallel_loop3A_27 = arith.index_cast %parallel_loop3A_25 : i32 to index
      %parallel_loop3A_28 = tpu.vector_load %arg9[%parallel_loop3A_26, %parallel_loop3A_27] {strides = array<i32>} : memref<41x128xf32, #tpu.memory_space<vmem>>, vector<16xf32>,
      %parallel_loop3A_29 = arith.constant 4 : i32
      %parallel_loop3A_30 = vector.broadcast %parallel_loop3A_29 : i32 to vector<16xi32>
      %parallel_loop3A_31 = arith.shrui %parallel_loop3A_23, %parallel_loop3A_30 : vector<16xi32>
      %parallel_loop3A_32 = arith.constant 15 : i32
      %parallel_loop3A_33 = vector.broadcast %parallel_loop3A_32 : i32 to vector<16xi32>
      %parallel_loop3A_34 = arith.andi %parallel_loop3A_23, %parallel_loop3A_33 : vector<16xi32>
      %parallel_loop3A_35 = tpu.vector_load_idx %arg7[%parallel_loop3A_31, %parallel_loop3A_34] : memref<625x16xf32, #tpu.memory_space<vmem>>[vector<16xi32>, vector<16xi32>], vector<16xf32>,
      %parallel_loop3A_36 = arith.constant 1.000000e-16 : f32
      %parallel_loop3A_37 = vector.broadcast %parallel_loop3A_36 : f32 to vector<16xf32>
      %parallel_loop3A_38 = arith.addf %parallel_loop3A_35, %parallel_loop3A_37 : vector<16xf32>
      %parallel_loop3A_39 = arith.divf %parallel_loop3A_28, %parallel_loop3A_38 : vector<16xf32>
      %parallel_loop3A_40 = arith.constant 16 : i32
      %parallel_loop3A_41 = arith.muli %parallel_loop3A_18, %parallel_loop3A_40 : i32
      %parallel_loop3A_42 = arith.index_cast %parallel_loop3A_16 : i32 to index
      %parallel_loop3A_43 = arith.index_cast %parallel_loop3A_41 : i32 to index
      %parallel_loop3A_44 = tpu.vector_load %arg10[%parallel_loop3A_42, %parallel_loop3A_43] {strides = array<i32>} : memref<41x128xf32, #tpu.memory_space<vmem>>, vector<16xf32>,
      tpu.vector_store %arg10[%parallel_loop3A_42, %parallel_loop3A_43], %parallel_loop3A_39 {strides = array<i32>} : memref<41x128xf32, #tpu.memory_space<vmem>>, vector<16xf32>,
    } {sc.loop_unroll_factor = 4 : i64, sc.parallel_access}
    "tpu.region"() ({
      %run_scoped3A_14 = tpu.sem_alloc : memref<!tpu.dma_semaphore, #tpu.memory_space<semaphore_mem>>
      %dma_start3A = arith.constant 0 : i32
      %dma_start3A_15 = tpu.memref_slice %arg5[%add3A_11, %dma_start3A] : memref<2592x128xf32, #tpu.memory_space<hbm>> -> memref<41x128xf32, #tpu.memory_space<hbm>>
      %dma_start3A_16 = arith.constant 0 : i32
      %dma_start3A_17 = tpu.memref_slice %arg5[%add3A_11, %dma_start3A_16] : memref<2592x128xf32, #tpu.memory_space<hbm>> -> memref<41x128xf32, #tpu.memory_space<hbm>>
      tpu.enqueue_dma source(%arg10 : memref<41x128xf32, #tpu.memory_space<vmem>>) target(%dma_start3A_17 : memref<41x128xf32, #tpu.memory_space<hbm>>) target_semaphore(%run_scoped3A_14 : memref<!tpu.dma_semaphore, #tpu.memory_space<semaphore_mem>>)
      %dma_wait3A = arith.constant 0 : i32
      %dma_wait3A_18 = tpu.memref_slice %arg5[%add3A_11, %dma_wait3A] : memref<2592x128xf32, #tpu.memory_space<hbm>> -> memref<41x128xf32, #tpu.memory_space<hbm>>
      %dma_wait3A_19 = arith.constant 0 : i32
      %dma_wait3A_20 = tpu.memref_slice %arg5[%add3A_11, %dma_wait3A_19] : memref<2592x128xf32, #tpu.memory_space<hbm>> -> memref<41x128xf32, #tpu.memory_space<hbm>>
      tpu.wait_dma2 semaphore(%run_scoped3A_14 : memref<!tpu.dma_semaphore, #tpu.memory_space<semaphore_mem>>) src(%arg10 : memref<41x128xf32, #tpu.memory_space<vmem>>) dst(%dma_wait3A_20 : memref<41x128xf32, #tpu.memory_space<hbm>>)
      tpu.yield
    }) : () -> ()
    return
  }
}

#map = affine_map<(d0, d1) -> (0, 0)>
#map1 = affine_map<(d0, d1) -> (0, 0, 0)>
module attributes {stable_mosaic.version = 14 : i64} {
  func.func @_pass1_body(%arg0: i32, %arg1: i32, %arg2: memref<10000x128xf32, #tpu.memory_space<hbm>>, %arg3: memref<2592x128xi32, #tpu.memory_space<hbm>>, %arg4: memref<2592x128xi32, #tpu.memory_space<hbm>>, %arg5: memref<625x16xf32, #tpu.memory_space<hbm>>, %arg6: memref<625x16xf32, #tpu.memory_space<hbm>>, %arg7: memref<2x10000x128xf32, #tpu.memory_space<hbm>>, %arg8: memref<2x625x16xf32, #tpu.memory_space<hbm>>, %arg9: memref<2592x128xf32, #tpu.memory_space<hbm>>, %arg10: memref<625x16xf32, #tpu.memory_space<vmem>>, %arg11: memref<625x16xf32, #tpu.memory_space<vmem>>, %arg12: memref<1x128xi32, #tpu.memory_space<vmem>>, %arg13: memref<2x128xi32, #tpu.memory_space<vmem>>, %arg14: memref<1x128xf32, #tpu.memory_space<vmem>>, %arg15: memref<128x128xf32, #tpu.memory_space<vmem>>, %arg16: memref<640x16xf32, #tpu.memory_space<vmem>>, %arg17: memref<5x128xi32, #tpu.memory_space<vmem>>, %arg18: memref<10000x128xf32, #tpu.memory_space<vmem_shared>>, %arg19: memref<640x16xf32, #tpu.memory_space<vmem_shared>>, %arg20: memref<!tpu.dma_semaphore, #tpu.memory_space<semaphore_mem>>, %arg21: memref<!tpu.dma_semaphore, #tpu.memory_space<semaphore_mem>>) attributes {dimension_semantics = [#tpu.dimension_semantics<core_parallel>, #tpu.dimension_semantics<subcore_parallel>], iteration_bounds = array<i64: 2, 16>, scalar_prefetch = 0 : i64, scratch_operands = 12 : i64, tpu.core_type = #tpu.core_type<sc_vector_subcore>, window_params = [{transform_indices = #map}, {transform_indices = #map}, {transform_indices = #map}, {transform_indices = #map}, {transform_indices = #map}, {transform_indices = #map1}, {transform_indices = #map1}, {transform_indices = #map}]} {
    %mul3A = arith.constant 2 : i32
    %mul3A_0 = arith.muli %arg1, %mul3A : i32
    %add3A = arith.addi %mul3A_0, %arg0 : i32
    %iota3A = tpu.iota {dimensions = array<i32: 0>} : vector<16xi32>
    %broadcast_in_dim3A = arith.constant 0.000000e+00 : f32
    %broadcast_in_dim3A_1 = vector.broadcast %broadcast_in_dim3A : f32 to vector<16xf32>
    %scan3A = arith.constant 0 : i32
    %scan3A_2 = arith.constant 0 : i32
    %scan3A_3 = arith.constant 640 : i32
    %scan3A_4 = arith.addi %scan3A_2, %scan3A_3 : i32
    %scan3A_5 = arith.constant 1 : i32
    %scan3A_6 = scf.for %scan3A_151 = %scan3A_2 to %scan3A_4 step %scan3A_5 iter_args(%scan3A_152 = %scan3A) -> (i32)  : i32 {
      %swap3A = arith.index_cast %scan3A_151 : i32 to index
      %swap3A_153 = arith.constant 0 : index
      %swap3A_154 = tpu.vector_load %arg16[%swap3A, %swap3A_153] {strides = array<i32>} : memref<640x16xf32, #tpu.memory_space<vmem>>, vector<16xf32>,
      tpu.vector_store %arg16[%swap3A, %swap3A_153], %broadcast_in_dim3A_1 {strides = array<i32>} : memref<640x16xf32, #tpu.memory_space<vmem>>, vector<16xf32>,
      %scan3A_155 = arith.constant 0 : i32
      scf.yield %scan3A_155 : i32
    }
    %scan3A_7 = arith.constant 640 : i32
    %scan3A_8 = arith.constant 0 : i32
    %scan3A_9 = arith.constant 0 : i32
    %scan3A_10 = arith.constant 128 : i32
    %scan3A_11 = arith.addi %scan3A_9, %scan3A_10 : i32
    %scan3A_12 = arith.constant 1 : i32
    %scan3A_13 = scf.for %scan3A_151 = %scan3A_9 to %scan3A_11 step %scan3A_12 iter_args(%scan3A_152 = %scan3A_8) -> (i32)  : i32 {
      %swap3A = arith.index_cast %scan3A_151 : i32 to index
      %swap3A_153 = arith.constant 0 : index
      %swap3A_154 = tpu.vector_load %arg15[%swap3A, %swap3A_153] {strides = array<i32>} : memref<128x128xf32, #tpu.memory_space<vmem>>, vector<16xf32>,
      tpu.vector_store %arg15[%swap3A, %swap3A_153], %broadcast_in_dim3A_1 {strides = array<i32>} : memref<128x128xf32, #tpu.memory_space<vmem>>, vector<16xf32>,
      %swap3A_155 = arith.index_cast %scan3A_151 : i32 to index
      %swap3A_156 = arith.constant 16 : index
      %swap3A_157 = tpu.vector_load %arg15[%swap3A_155, %swap3A_156] {strides = array<i32>} : memref<128x128xf32, #tpu.memory_space<vmem>>, vector<16xf32>,
      tpu.vector_store %arg15[%swap3A_155, %swap3A_156], %broadcast_in_dim3A_1 {strides = array<i32>} : memref<128x128xf32, #tpu.memory_space<vmem>>, vector<16xf32>,
      %swap3A_158 = arith.index_cast %scan3A_151 : i32 to index
      %swap3A_159 = arith.constant 32 : index
      %swap3A_160 = tpu.vector_load %arg15[%swap3A_158, %swap3A_159] {strides = array<i32>} : memref<128x128xf32, #tpu.memory_space<vmem>>, vector<16xf32>,
      tpu.vector_store %arg15[%swap3A_158, %swap3A_159], %broadcast_in_dim3A_1 {strides = array<i32>} : memref<128x128xf32, #tpu.memory_space<vmem>>, vector<16xf32>,
      %swap3A_161 = arith.index_cast %scan3A_151 : i32 to index
      %swap3A_162 = arith.constant 48 : index
      %swap3A_163 = tpu.vector_load %arg15[%swap3A_161, %swap3A_162] {strides = array<i32>} : memref<128x128xf32, #tpu.memory_space<vmem>>, vector<16xf32>,
      tpu.vector_store %arg15[%swap3A_161, %swap3A_162], %broadcast_in_dim3A_1 {strides = array<i32>} : memref<128x128xf32, #tpu.memory_space<vmem>>, vector<16xf32>,
      %swap3A_164 = arith.index_cast %scan3A_151 : i32 to index
      %swap3A_165 = arith.constant 64 : index
      %swap3A_166 = tpu.vector_load %arg15[%swap3A_164, %swap3A_165] {strides = array<i32>} : memref<128x128xf32, #tpu.memory_space<vmem>>, vector<16xf32>,
      tpu.vector_store %arg15[%swap3A_164, %swap3A_165], %broadcast_in_dim3A_1 {strides = array<i32>} : memref<128x128xf32, #tpu.memory_space<vmem>>, vector<16xf32>,
      %swap3A_167 = arith.index_cast %scan3A_151 : i32 to index
      %swap3A_168 = arith.constant 80 : index
      %swap3A_169 = tpu.vector_load %arg15[%swap3A_167, %swap3A_168] {strides = array<i32>} : memref<128x128xf32, #tpu.memory_space<vmem>>, vector<16xf32>,
      tpu.vector_store %arg15[%swap3A_167, %swap3A_168], %broadcast_in_dim3A_1 {strides = array<i32>} : memref<128x128xf32, #tpu.memory_space<vmem>>, vector<16xf32>,
      %swap3A_170 = arith.index_cast %scan3A_151 : i32 to index
      %swap3A_171 = arith.constant 96 : index
      %swap3A_172 = tpu.vector_load %arg15[%swap3A_170, %swap3A_171] {strides = array<i32>} : memref<128x128xf32, #tpu.memory_space<vmem>>, vector<16xf32>,
      tpu.vector_store %arg15[%swap3A_170, %swap3A_171], %broadcast_in_dim3A_1 {strides = array<i32>} : memref<128x128xf32, #tpu.memory_space<vmem>>, vector<16xf32>,
      %swap3A_173 = arith.index_cast %scan3A_151 : i32 to index
      %swap3A_174 = arith.constant 112 : index
      %swap3A_175 = tpu.vector_load %arg15[%swap3A_173, %swap3A_174] {strides = array<i32>} : memref<128x128xf32, #tpu.memory_space<vmem>>, vector<16xf32>,
      tpu.vector_store %arg15[%swap3A_173, %swap3A_174], %broadcast_in_dim3A_1 {strides = array<i32>} : memref<128x128xf32, #tpu.memory_space<vmem>>, vector<16xf32>,
      %scan3A_176 = arith.constant 0 : i32
      scf.yield %scan3A_176 : i32
    }
    %scan3A_14 = arith.constant 128 : i32
    %mul3A_15 = arith.constant 625 : i32
    %mul3A_16 = arith.muli %arg1, %mul3A_15 : i32
    %add3A_17 = arith.constant 0 : i32
    %add3A_18 = arith.addi %mul3A_16, %add3A_17 : i32
    "tpu.region"() ({
      %run_scoped3A_151 = tpu.sem_alloc : memref<!tpu.dma_semaphore, #tpu.memory_space<semaphore_mem>>
      %dma_start3A = arith.constant 0 : i32
      %dma_start3A_152 = tpu.memref_slice %arg18[%add3A_18, %dma_start3A] : memref<10000x128xf32, #tpu.memory_space<vmem_shared>> -> memref<128x128xf32, #tpu.memory_space<vmem_shared>>
      %dma_start3A_153 = arith.constant 0 : i32
      %dma_start3A_154 = tpu.memref_slice %arg18[%add3A_18, %dma_start3A_153] : memref<10000x128xf32, #tpu.memory_space<vmem_shared>> -> memref<128x128xf32, #tpu.memory_space<vmem_shared>>
      tpu.enqueue_dma source(%arg15 : memref<128x128xf32, #tpu.memory_space<vmem>>) target(%dma_start3A_154 : memref<128x128xf32, #tpu.memory_space<vmem_shared>>) target_semaphore(%run_scoped3A_151 : memref<!tpu.dma_semaphore, #tpu.memory_space<semaphore_mem>>)
      %dma_wait3A_155 = arith.constant 0 : i32
      %dma_wait3A_156 = tpu.memref_slice %arg18[%add3A_18, %dma_wait3A_155] : memref<10000x128xf32, #tpu.memory_space<vmem_shared>> -> memref<128x128xf32, #tpu.memory_space<vmem_shared>>
      %dma_wait3A_157 = arith.constant 0 : i32
      %dma_wait3A_158 = tpu.memref_slice %arg18[%add3A_18, %dma_wait3A_157] : memref<10000x128xf32, #tpu.memory_space<vmem_shared>> -> memref<128x128xf32, #tpu.memory_space<vmem_shared>>
      tpu.wait_dma2 semaphore(%run_scoped3A_151 : memref<!tpu.dma_semaphore, #tpu.memory_space<semaphore_mem>>) src(%arg15 : memref<128x128xf32, #tpu.memory_space<vmem>>) dst(%dma_wait3A_158 : memref<128x128xf32, #tpu.memory_space<vmem_shared>>)
      tpu.yield
    }) : () -> ()
    %add3A_19 = arith.constant 128 : i32
    %add3A_20 = arith.addi %mul3A_16, %add3A_19 : i32
    "tpu.region"() ({
      %run_scoped3A_151 = tpu.sem_alloc : memref<!tpu.dma_semaphore, #tpu.memory_space<semaphore_mem>>
      %dma_start3A = arith.constant 0 : i32
      %dma_start3A_152 = tpu.memref_slice %arg18[%add3A_20, %dma_start3A] : memref<10000x128xf32, #tpu.memory_space<vmem_shared>> -> memref<128x128xf32, #tpu.memory_space<vmem_shared>>
      %dma_start3A_153 = arith.constant 0 : i32
      %dma_start3A_154 = tpu.memref_slice %arg18[%add3A_20, %dma_start3A_153] : memref<10000x128xf32, #tpu.memory_space<vmem_shared>> -> memref<128x128xf32, #tpu.memory_space<vmem_shared>>
      tpu.enqueue_dma source(%arg15 : memref<128x128xf32, #tpu.memory_space<vmem>>) target(%dma_start3A_154 : memref<128x128xf32, #tpu.memory_space<vmem_shared>>) target_semaphore(%run_scoped3A_151 : memref<!tpu.dma_semaphore, #tpu.memory_space<semaphore_mem>>)
      %dma_wait3A_155 = arith.constant 0 : i32
      %dma_wait3A_156 = tpu.memref_slice %arg18[%add3A_20, %dma_wait3A_155] : memref<10000x128xf32, #tpu.memory_space<vmem_shared>> -> memref<128x128xf32, #tpu.memory_space<vmem_shared>>
      %dma_wait3A_157 = arith.constant 0 : i32
      %dma_wait3A_158 = tpu.memref_slice %arg18[%add3A_20, %dma_wait3A_157] : memref<10000x128xf32, #tpu.memory_space<vmem_shared>> -> memref<128x128xf32, #tpu.memory_space<vmem_shared>>
      tpu.wait_dma2 semaphore(%run_scoped3A_151 : memref<!tpu.dma_semaphore, #tpu.memory_space<semaphore_mem>>) src(%arg15 : memref<128x128xf32, #tpu.memory_space<vmem>>) dst(%dma_wait3A_158 : memref<128x128xf32, #tpu.memory_space<vmem_shared>>)
      tpu.yield
    }) : () -> ()
    %add3A_21 = arith.constant 256 : i32
    %add3A_22 = arith.addi %mul3A_16, %add3A_21 : i32
    "tpu.region"() ({
      %run_scoped3A_151 = tpu.sem_alloc : memref<!tpu.dma_semaphore, #tpu.memory_space<semaphore_mem>>
      %dma_start3A = arith.constant 0 : i32
      %dma_start3A_152 = tpu.memref_slice %arg18[%add3A_22, %dma_start3A] : memref<10000x128xf32, #tpu.memory_space<vmem_shared>> -> memref<128x128xf32, #tpu.memory_space<vmem_shared>>
      %dma_start3A_153 = arith.constant 0 : i32
      %dma_start3A_154 = tpu.memref_slice %arg18[%add3A_22, %dma_start3A_153] : memref<10000x128xf32, #tpu.memory_space<vmem_shared>> -> memref<128x128xf32, #tpu.memory_space<vmem_shared>>
      tpu.enqueue_dma source(%arg15 : memref<128x128xf32, #tpu.memory_space<vmem>>) target(%dma_start3A_154 : memref<128x128xf32, #tpu.memory_space<vmem_shared>>) target_semaphore(%run_scoped3A_151 : memref<!tpu.dma_semaphore, #tpu.memory_space<semaphore_mem>>)
      %dma_wait3A_155 = arith.constant 0 : i32
      %dma_wait3A_156 = tpu.memref_slice %arg18[%add3A_22, %dma_wait3A_155] : memref<10000x128xf32, #tpu.memory_space<vmem_shared>> -> memref<128x128xf32, #tpu.memory_space<vmem_shared>>
      %dma_wait3A_157 = arith.constant 0 : i32
      %dma_wait3A_158 = tpu.memref_slice %arg18[%add3A_22, %dma_wait3A_157] : memref<10000x128xf32, #tpu.memory_space<vmem_shared>> -> memref<128x128xf32, #tpu.memory_space<vmem_shared>>
      tpu.wait_dma2 semaphore(%run_scoped3A_151 : memref<!tpu.dma_semaphore, #tpu.memory_space<semaphore_mem>>) src(%arg15 : memref<128x128xf32, #tpu.memory_space<vmem>>) dst(%dma_wait3A_158 : memref<128x128xf32, #tpu.memory_space<vmem_shared>>)
      tpu.yield
    }) : () -> ()
    %add3A_23 = arith.constant 384 : i32
    %add3A_24 = arith.addi %mul3A_16, %add3A_23 : i32
    "tpu.region"() ({
      %run_scoped3A_151 = tpu.sem_alloc : memref<!tpu.dma_semaphore, #tpu.memory_space<semaphore_mem>>
      %dma_start3A = arith.constant 0 : i32
      %dma_start3A_152 = tpu.memref_slice %arg18[%add3A_24, %dma_start3A] : memref<10000x128xf32, #tpu.memory_space<vmem_shared>> -> memref<128x128xf32, #tpu.memory_space<vmem_shared>>
      %dma_start3A_153 = arith.constant 0 : i32
      %dma_start3A_154 = tpu.memref_slice %arg18[%add3A_24, %dma_start3A_153] : memref<10000x128xf32, #tpu.memory_space<vmem_shared>> -> memref<128x128xf32, #tpu.memory_space<vmem_shared>>
      tpu.enqueue_dma source(%arg15 : memref<128x128xf32, #tpu.memory_space<vmem>>) target(%dma_start3A_154 : memref<128x128xf32, #tpu.memory_space<vmem_shared>>) target_semaphore(%run_scoped3A_151 : memref<!tpu.dma_semaphore, #tpu.memory_space<semaphore_mem>>)
      %dma_wait3A_155 = arith.constant 0 : i32
      %dma_wait3A_156 = tpu.memref_slice %arg18[%add3A_24, %dma_wait3A_155] : memref<10000x128xf32, #tpu.memory_space<vmem_shared>> -> memref<128x128xf32, #tpu.memory_space<vmem_shared>>
      %dma_wait3A_157 = arith.constant 0 : i32
      %dma_wait3A_158 = tpu.memref_slice %arg18[%add3A_24, %dma_wait3A_157] : memref<10000x128xf32, #tpu.memory_space<vmem_shared>> -> memref<128x128xf32, #tpu.memory_space<vmem_shared>>
      tpu.wait_dma2 semaphore(%run_scoped3A_151 : memref<!tpu.dma_semaphore, #tpu.memory_space<semaphore_mem>>) src(%arg15 : memref<128x128xf32, #tpu.memory_space<vmem>>) dst(%dma_wait3A_158 : memref<128x128xf32, #tpu.memory_space<vmem_shared>>)
      tpu.yield
    }) : () -> ()
    %add3A_25 = arith.constant 512 : i32
    %add3A_26 = arith.addi %mul3A_16, %add3A_25 : i32
    "tpu.region"() ({
      %run_scoped3A_151 = tpu.sem_alloc : memref<!tpu.dma_semaphore, #tpu.memory_space<semaphore_mem>>
      %dma_start3A = arith.constant 0 : i32
      %dma_start3A_152 = arith.constant 0 : i32
      %dma_start3A_153 = tpu.memref_slice %arg15[%dma_start3A, %dma_start3A_152] : memref<128x128xf32, #tpu.memory_space<vmem>> -> memref<113x128xf32, #tpu.memory_space<vmem>>
      %dma_start3A_154 = arith.constant 0 : i32
      %dma_start3A_155 = tpu.memref_slice %arg18[%add3A_26, %dma_start3A_154] : memref<10000x128xf32, #tpu.memory_space<vmem_shared>> -> memref<113x128xf32, #tpu.memory_space<vmem_shared>>
      %dma_start3A_156 = arith.constant 0 : i32
      %dma_start3A_157 = tpu.memref_slice %arg18[%add3A_26, %dma_start3A_156] : memref<10000x128xf32, #tpu.memory_space<vmem_shared>> -> memref<113x128xf32, #tpu.memory_space<vmem_shared>>
      %dma_start3A_158 = arith.constant 0 : i32
      %dma_start3A_159 = arith.constant 0 : i32
      %dma_start3A_160 = tpu.memref_slice %arg15[%dma_start3A_158, %dma_start3A_159] : memref<128x128xf32, #tpu.memory_space<vmem>> -> memref<113x128xf32, #tpu.memory_space<vmem>>
      tpu.enqueue_dma source(%dma_start3A_160 : memref<113x128xf32, #tpu.memory_space<vmem>>) target(%dma_start3A_157 : memref<113x128xf32, #tpu.memory_space<vmem_shared>>) target_semaphore(%run_scoped3A_151 : memref<!tpu.dma_semaphore, #tpu.memory_space<semaphore_mem>>)
      %dma_wait3A_161 = arith.constant 0 : i32
      %dma_wait3A_162 = arith.constant 0 : i32
      %dma_wait3A_163 = tpu.memref_slice %arg15[%dma_wait3A_161, %dma_wait3A_162] : memref<128x128xf32, #tpu.memory_space<vmem>> -> memref<113x128xf32, #tpu.memory_space<vmem>>
      %dma_wait3A_164 = arith.constant 0 : i32
      %dma_wait3A_165 = tpu.memref_slice %arg18[%add3A_26, %dma_wait3A_164] : memref<10000x128xf32, #tpu.memory_space<vmem_shared>> -> memref<113x128xf32, #tpu.memory_space<vmem_shared>>
      %dma_wait3A_166 = arith.constant 0 : i32
      %dma_wait3A_167 = tpu.memref_slice %arg18[%add3A_26, %dma_wait3A_166] : memref<10000x128xf32, #tpu.memory_space<vmem_shared>> -> memref<113x128xf32, #tpu.memory_space<vmem_shared>>
      %dma_wait3A_168 = arith.constant 0 : i32
      %dma_wait3A_169 = arith.constant 0 : i32
      %dma_wait3A_170 = tpu.memref_slice %arg15[%dma_wait3A_168, %dma_wait3A_169] : memref<128x128xf32, #tpu.memory_space<vmem>> -> memref<113x128xf32, #tpu.memory_space<vmem>>
      tpu.wait_dma2 semaphore(%run_scoped3A_151 : memref<!tpu.dma_semaphore, #tpu.memory_space<semaphore_mem>>) src(%dma_wait3A_170 : memref<113x128xf32, #tpu.memory_space<vmem>>) dst(%dma_wait3A_167 : memref<113x128xf32, #tpu.memory_space<vmem_shared>>)
      tpu.yield
    }) : () -> ()
    %eq3A = arith.constant 0 : i32
    %eq3A_27 = arith.cmpi eq, %arg1, %eq3A : i32
    %convert_element_type3A = arith.extui %eq3A_27 : i1 to i32
    %cond3A = arith.constant 0 : i32
    %cond3A_28 = arith.cmpi ne, %convert_element_type3A, %cond3A : i32
    scf.if %cond3A_28 {
      "tpu.region"() ({
        %run_scoped3A_151 = tpu.sem_alloc : memref<!tpu.dma_semaphore, #tpu.memory_space<semaphore_mem>>
        tpu.enqueue_dma source(%arg16 : memref<640x16xf32, #tpu.memory_space<vmem>>) target(%arg19 : memref<640x16xf32, #tpu.memory_space<vmem_shared>>) target_semaphore(%run_scoped3A_151 : memref<!tpu.dma_semaphore, #tpu.memory_space<semaphore_mem>>)
        tpu.wait_dma2 semaphore(%run_scoped3A_151 : memref<!tpu.dma_semaphore, #tpu.memory_space<semaphore_mem>>) src(%arg16 : memref<640x16xf32, #tpu.memory_space<vmem>>) dst(%arg19 : memref<640x16xf32, #tpu.memory_space<vmem_shared>>)
        tpu.yield
      }) : () -> ()
    } else {
    }
    %scan3A_29 = arith.constant 0 : i32
    %scan3A_30 = arith.constant 0 : i32
    %scan3A_31 = arith.constant 8 : i32
    %scan3A_32 = arith.addi %scan3A_30, %scan3A_31 : i32
    %scan3A_33 = arith.constant 1 : i32
    %scan3A_34 = scf.for %scan3A_151 = %scan3A_30 to %scan3A_32 step %scan3A_33 iter_args(%scan3A_152 = %scan3A_29) -> (i32)  : i32 {
      %mul3A_153 = arith.constant 16 : i32
      %mul3A_154 = arith.muli %scan3A_151, %mul3A_153 : i32
      %add3A_155 = arith.constant 0 : i32
      %add3A_156 = arith.addi %add3A_155, %mul3A_154 : i32
      %add3A_157 = vector.broadcast %add3A_156 : i32 to vector<16xi32>
      %add3A_158 = arith.addi %add3A_157, %iota3A : vector<16xi32>
      %mul3A_159 = arith.constant 16 : i32
      %mul3A_160 = arith.muli %scan3A_151, %mul3A_159 : i32
      %swap3A = arith.constant 0 : i32
      %swap3A_161 = arith.index_cast %swap3A : i32 to index
      %swap3A_162 = arith.index_cast %mul3A_160 : i32 to index
      %swap3A_163 = tpu.vector_load %arg17[%swap3A_161, %swap3A_162] {strides = array<i32>} : memref<5x128xi32, #tpu.memory_space<vmem>>, vector<16xi32>,
      tpu.vector_store %arg17[%swap3A_161, %swap3A_162], %add3A_158 {strides = array<i32>} : memref<5x128xi32, #tpu.memory_space<vmem>>, vector<16xi32>,
      %scan3A_164 = arith.constant 0 : i32
      scf.yield %scan3A_164 : i32
    }
    %scan3A_35 = arith.constant 8 : i32
    %scan3A_36 = arith.constant 0 : i32
    %scan3A_37 = arith.constant 0 : i32
    %scan3A_38 = arith.constant 8 : i32
    %scan3A_39 = arith.addi %scan3A_37, %scan3A_38 : i32
    %scan3A_40 = arith.constant 1 : i32
    %scan3A_41 = scf.for %scan3A_151 = %scan3A_37 to %scan3A_39 step %scan3A_40 iter_args(%scan3A_152 = %scan3A_36) -> (i32)  : i32 {
      %mul3A_153 = arith.constant 16 : i32
      %mul3A_154 = arith.muli %scan3A_151, %mul3A_153 : i32
      %add3A_155 = arith.constant 128 : i32
      %add3A_156 = arith.addi %add3A_155, %mul3A_154 : i32
      %add3A_157 = vector.broadcast %add3A_156 : i32 to vector<16xi32>
      %add3A_158 = arith.addi %add3A_157, %iota3A : vector<16xi32>
      %mul3A_159 = arith.constant 16 : i32
      %mul3A_160 = arith.muli %scan3A_151, %mul3A_159 : i32
      %swap3A = arith.constant 1 : i32
      %swap3A_161 = arith.index_cast %swap3A : i32 to index
      %swap3A_162 = arith.index_cast %mul3A_160 : i32 to index
      %swap3A_163 = tpu.vector_load %arg17[%swap3A_161, %swap3A_162] {strides = array<i32>} : memref<5x128xi32, #tpu.memory_space<vmem>>, vector<16xi32>,
      tpu.vector_store %arg17[%swap3A_161, %swap3A_162], %add3A_158 {strides = array<i32>} : memref<5x128xi32, #tpu.memory_space<vmem>>, vector<16xi32>,
      %scan3A_164 = arith.constant 0 : i32
      scf.yield %scan3A_164 : i32
    }
    %scan3A_42 = arith.constant 8 : i32
    %scan3A_43 = arith.constant 0 : i32
    %scan3A_44 = arith.constant 0 : i32
    %scan3A_45 = arith.constant 8 : i32
    %scan3A_46 = arith.addi %scan3A_44, %scan3A_45 : i32
    %scan3A_47 = arith.constant 1 : i32
    %scan3A_48 = scf.for %scan3A_151 = %scan3A_44 to %scan3A_46 step %scan3A_47 iter_args(%scan3A_152 = %scan3A_43) -> (i32)  : i32 {
      %mul3A_153 = arith.constant 16 : i32
      %mul3A_154 = arith.muli %scan3A_151, %mul3A_153 : i32
      %add3A_155 = arith.constant 256 : i32
      %add3A_156 = arith.addi %add3A_155, %mul3A_154 : i32
      %add3A_157 = vector.broadcast %add3A_156 : i32 to vector<16xi32>
      %add3A_158 = arith.addi %add3A_157, %iota3A : vector<16xi32>
      %mul3A_159 = arith.constant 16 : i32
      %mul3A_160 = arith.muli %scan3A_151, %mul3A_159 : i32
      %swap3A = arith.constant 2 : i32
      %swap3A_161 = arith.index_cast %swap3A : i32 to index
      %swap3A_162 = arith.index_cast %mul3A_160 : i32 to index
      %swap3A_163 = tpu.vector_load %arg17[%swap3A_161, %swap3A_162] {strides = array<i32>} : memref<5x128xi32, #tpu.memory_space<vmem>>, vector<16xi32>,
      tpu.vector_store %arg17[%swap3A_161, %swap3A_162], %add3A_158 {strides = array<i32>} : memref<5x128xi32, #tpu.memory_space<vmem>>, vector<16xi32>,
      %scan3A_164 = arith.constant 0 : i32
      scf.yield %scan3A_164 : i32
    }
    %scan3A_49 = arith.constant 8 : i32
    %scan3A_50 = arith.constant 0 : i32
    %scan3A_51 = arith.constant 0 : i32
    %scan3A_52 = arith.constant 8 : i32
    %scan3A_53 = arith.addi %scan3A_51, %scan3A_52 : i32
    %scan3A_54 = arith.constant 1 : i32
    %scan3A_55 = scf.for %scan3A_151 = %scan3A_51 to %scan3A_53 step %scan3A_54 iter_args(%scan3A_152 = %scan3A_50) -> (i32)  : i32 {
      %mul3A_153 = arith.constant 16 : i32
      %mul3A_154 = arith.muli %scan3A_151, %mul3A_153 : i32
      %add3A_155 = arith.constant 384 : i32
      %add3A_156 = arith.addi %add3A_155, %mul3A_154 : i32
      %add3A_157 = vector.broadcast %add3A_156 : i32 to vector<16xi32>
      %add3A_158 = arith.addi %add3A_157, %iota3A : vector<16xi32>
      %mul3A_159 = arith.constant 16 : i32
      %mul3A_160 = arith.muli %scan3A_151, %mul3A_159 : i32
      %swap3A = arith.constant 3 : i32
      %swap3A_161 = arith.index_cast %swap3A : i32 to index
      %swap3A_162 = arith.index_cast %mul3A_160 : i32 to index
      %swap3A_163 = tpu.vector_load %arg17[%swap3A_161, %swap3A_162] {strides = array<i32>} : memref<5x128xi32, #tpu.memory_space<vmem>>, vector<16xi32>,
      tpu.vector_store %arg17[%swap3A_161, %swap3A_162], %add3A_158 {strides = array<i32>} : memref<5x128xi32, #tpu.memory_space<vmem>>, vector<16xi32>,
      %scan3A_164 = arith.constant 0 : i32
      scf.yield %scan3A_164 : i32
    }
    %scan3A_56 = arith.constant 8 : i32
    %scan3A_57 = arith.constant 0 : i32
    %scan3A_58 = arith.constant 0 : i32
    %scan3A_59 = arith.constant 8 : i32
    %scan3A_60 = arith.addi %scan3A_58, %scan3A_59 : i32
    %scan3A_61 = arith.constant 1 : i32
    %scan3A_62 = scf.for %scan3A_151 = %scan3A_58 to %scan3A_60 step %scan3A_61 iter_args(%scan3A_152 = %scan3A_57) -> (i32)  : i32 {
      %mul3A_153 = arith.constant 16 : i32
      %mul3A_154 = arith.muli %scan3A_151, %mul3A_153 : i32
      %add3A_155 = arith.constant 512 : i32
      %add3A_156 = arith.addi %add3A_155, %mul3A_154 : i32
      %add3A_157 = vector.broadcast %add3A_156 : i32 to vector<16xi32>
      %add3A_158 = arith.addi %add3A_157, %iota3A : vector<16xi32>
      %mul3A_159 = arith.constant 16 : i32
      %mul3A_160 = arith.muli %scan3A_151, %mul3A_159 : i32
      %swap3A = arith.constant 4 : i32
      %swap3A_161 = arith.index_cast %swap3A : i32 to index
      %swap3A_162 = arith.index_cast %mul3A_160 : i32 to index
      %swap3A_163 = tpu.vector_load %arg17[%swap3A_161, %swap3A_162] {strides = array<i32>} : memref<5x128xi32, #tpu.memory_space<vmem>>, vector<16xi32>,
      tpu.vector_store %arg17[%swap3A_161, %swap3A_162], %add3A_158 {strides = array<i32>} : memref<5x128xi32, #tpu.memory_space<vmem>>, vector<16xi32>,
      %scan3A_164 = arith.constant 0 : i32
      scf.yield %scan3A_164 : i32
    }
    %scan3A_63 = arith.constant 8 : i32
    "tpu.region"() ({
      %run_scoped3A_151 = tpu.sem_alloc : memref<!tpu.dma_semaphore, #tpu.memory_space<semaphore_mem>>
      tpu.enqueue_dma source(%arg5 : memref<625x16xf32, #tpu.memory_space<hbm>>) target(%arg10 : memref<625x16xf32, #tpu.memory_space<vmem>>) target_semaphore(%run_scoped3A_151 : memref<!tpu.dma_semaphore, #tpu.memory_space<semaphore_mem>>)
      tpu.wait_dma2 semaphore(%run_scoped3A_151 : memref<!tpu.dma_semaphore, #tpu.memory_space<semaphore_mem>>) src(%arg5 : memref<625x16xf32, #tpu.memory_space<hbm>>) dst(%arg10 : memref<625x16xf32, #tpu.memory_space<vmem>>)
      tpu.yield
    }) : () -> ()
    "tpu.region"() ({
      %run_scoped3A_151 = tpu.sem_alloc : memref<!tpu.dma_semaphore, #tpu.memory_space<semaphore_mem>>
      tpu.enqueue_dma source(%arg6 : memref<625x16xf32, #tpu.memory_space<hbm>>) target(%arg11 : memref<625x16xf32, #tpu.memory_space<vmem>>) target_semaphore(%run_scoped3A_151 : memref<!tpu.dma_semaphore, #tpu.memory_space<semaphore_mem>>)
      tpu.wait_dma2 semaphore(%run_scoped3A_151 : memref<!tpu.dma_semaphore, #tpu.memory_space<semaphore_mem>>) src(%arg6 : memref<625x16xf32, #tpu.memory_space<hbm>>) dst(%arg11 : memref<625x16xf32, #tpu.memory_space<vmem>>)
      tpu.yield
    }) : () -> ()
    %get3A = arith.constant 0 : i32
    %get3A_64 = arith.index_cast %get3A : i32 to index
    %get3A_65 = arith.constant 0 : index
    %get3A_66 = tpu.vector_load %arg10[%get3A_64, %get3A_65] {strides = array<i32>} : memref<625x16xf32, #tpu.memory_space<vmem>>, vector<16xf32>,
    %scan3A_67 = arith.constant 1 : i32
    %scan3A_68 = arith.constant 624 : i32
    %scan3A_69 = arith.addi %scan3A_67, %scan3A_68 : i32
    %scan3A_70 = arith.constant 1 : i32
    %scan3A_71 = scf.for %scan3A_151 = %scan3A_67 to %scan3A_69 step %scan3A_70 iter_args(%scan3A_152 = %get3A_66) -> (vector<16xf32>)  : i32 {
      %get3A_153 = arith.index_cast %scan3A_151 : i32 to index
      %get3A_154 = arith.constant 0 : index
      %get3A_155 = tpu.vector_load %arg10[%get3A_153, %get3A_154] {strides = array<i32>} : memref<625x16xf32, #tpu.memory_space<vmem>>, vector<16xf32>,
      %max3A_156 = arith.maximumf %scan3A_152, %get3A_155 : vector<16xf32>
      scf.yield %max3A_156 : vector<16xf32>
    }
    %scan3A_72 = arith.constant 624 : i32
    %xor3A = arith.constant 1 : i32
    %xor3A_73 = vector.broadcast %xor3A : i32 to vector<16xi32>
    %xor3A_74 = arith.xori %iota3A, %xor3A_73 : vector<16xi32>
    %lt3A = arith.constant 0 : i32
    %lt3A_75 = vector.broadcast %lt3A : i32 to vector<16xi32>
    %lt3A_76 = arith.cmpi slt, %xor3A_74, %lt3A_75 : vector<16xi32>
    %add3A_77 = arith.constant 16 : i32
    %add3A_78 = vector.broadcast %add3A_77 : i32 to vector<16xi32>
    %add3A_79 = arith.addi %xor3A_74, %add3A_78 : vector<16xi32>
    %select_n3A = arith.select %lt3A_76, %add3A_79, %xor3A_74 : vector<16xi1>, vector<16xi32>
    %broadcast_in_dim3A_80 = vector.shape_cast %select_n3A : vector<16xi32> to vector<16x1xi32>
    %gather3A = vector.shape_cast %broadcast_in_dim3A_80 : vector<16x1xi32> to vector<16xi32>
    %gather3A_81 = tpu.dynamic_gather %scan3A_71[%gather3A] in [0] : vector<16xf32>, vector<16xi32> -> vector<16xf32>
    %max3A = arith.maximumf %scan3A_71, %gather3A_81 : vector<16xf32>
    %xor3A_82 = arith.constant 2 : i32
    %xor3A_83 = vector.broadcast %xor3A_82 : i32 to vector<16xi32>
    %xor3A_84 = arith.xori %iota3A, %xor3A_83 : vector<16xi32>
    %lt3A_85 = arith.constant 0 : i32
    %lt3A_86 = vector.broadcast %lt3A_85 : i32 to vector<16xi32>
    %lt3A_87 = arith.cmpi slt, %xor3A_84, %lt3A_86 : vector<16xi32>
    %add3A_88 = arith.constant 16 : i32
    %add3A_89 = vector.broadcast %add3A_88 : i32 to vector<16xi32>
    %add3A_90 = arith.addi %xor3A_84, %add3A_89 : vector<16xi32>
    %select_n3A_91 = arith.select %lt3A_87, %add3A_90, %xor3A_84 : vector<16xi1>, vector<16xi32>
    %broadcast_in_dim3A_92 = vector.shape_cast %select_n3A_91 : vector<16xi32> to vector<16x1xi32>
    %gather3A_93 = vector.shape_cast %broadcast_in_dim3A_92 : vector<16x1xi32> to vector<16xi32>
    %gather3A_94 = tpu.dynamic_gather %max3A[%gather3A_93] in [0] : vector<16xf32>, vector<16xi32> -> vector<16xf32>
    %max3A_95 = arith.maximumf %max3A, %gather3A_94 : vector<16xf32>
    %xor3A_96 = arith.constant 4 : i32
    %xor3A_97 = vector.broadcast %xor3A_96 : i32 to vector<16xi32>
    %xor3A_98 = arith.xori %iota3A, %xor3A_97 : vector<16xi32>
    %lt3A_99 = arith.constant 0 : i32
    %lt3A_100 = vector.broadcast %lt3A_99 : i32 to vector<16xi32>
    %lt3A_101 = arith.cmpi slt, %xor3A_98, %lt3A_100 : vector<16xi32>
    %add3A_102 = arith.constant 16 : i32
    %add3A_103 = vector.broadcast %add3A_102 : i32 to vector<16xi32>
    %add3A_104 = arith.addi %xor3A_98, %add3A_103 : vector<16xi32>
    %select_n3A_105 = arith.select %lt3A_101, %add3A_104, %xor3A_98 : vector<16xi1>, vector<16xi32>
    %broadcast_in_dim3A_106 = vector.shape_cast %select_n3A_105 : vector<16xi32> to vector<16x1xi32>
    %gather3A_107 = vector.shape_cast %broadcast_in_dim3A_106 : vector<16x1xi32> to vector<16xi32>
    %gather3A_108 = tpu.dynamic_gather %max3A_95[%gather3A_107] in [0] : vector<16xf32>, vector<16xi32> -> vector<16xf32>
    %max3A_109 = arith.maximumf %max3A_95, %gather3A_108 : vector<16xf32>
    %xor3A_110 = arith.constant 8 : i32
    %xor3A_111 = vector.broadcast %xor3A_110 : i32 to vector<16xi32>
    %xor3A_112 = arith.xori %iota3A, %xor3A_111 : vector<16xi32>
    %lt3A_113 = arith.constant 0 : i32
    %lt3A_114 = vector.broadcast %lt3A_113 : i32 to vector<16xi32>
    %lt3A_115 = arith.cmpi slt, %xor3A_112, %lt3A_114 : vector<16xi32>
    %add3A_116 = arith.constant 16 : i32
    %add3A_117 = vector.broadcast %add3A_116 : i32 to vector<16xi32>
    %add3A_118 = arith.addi %xor3A_112, %add3A_117 : vector<16xi32>
    %select_n3A_119 = arith.select %lt3A_115, %add3A_118, %xor3A_112 : vector<16xi1>, vector<16xi32>
    %broadcast_in_dim3A_120 = vector.shape_cast %select_n3A_119 : vector<16xi32> to vector<16x1xi32>
    %gather3A_121 = vector.shape_cast %broadcast_in_dim3A_120 : vector<16x1xi32> to vector<16xi32>
    %gather3A_122 = tpu.dynamic_gather %max3A_109[%gather3A_121] in [0] : vector<16xf32>, vector<16xi32> -> vector<16xf32>
    %max3A_123 = arith.maximumf %max3A_109, %gather3A_122 : vector<16xf32>
    %barrier3A = arith.constant 0 : index
    tpu.barrier barrier_id(%barrier3A)
    %mul3A_124 = arith.constant 81 : i32
    %mul3A_125 = arith.muli %add3A, %mul3A_124 : i32
    %scan3A_126 = arith.constant 0 : i32
    %scan3A_127 = arith.constant 0 : i32
    %scan3A_128 = arith.constant 81 : i32
    %scan3A_129 = arith.addi %scan3A_127, %scan3A_128 : i32
    %scan3A_130 = arith.constant 1 : i32
    %scan3A_131 = scf.for %scan3A_151 = %scan3A_127 to %scan3A_129 step %scan3A_130 iter_args(%scan3A_152 = %scan3A_126) -> (i32)  : i32 {
      %and3A = arith.constant 1 : i32
      %and3A_153 = arith.andi %scan3A_151, %and3A : i32
      %add3A_154 = arith.addi %mul3A_125, %scan3A_151 : i32
      "tpu.region"() ({
        %run_scoped3A_193 = tpu.sem_alloc : memref<!tpu.dma_semaphore, #tpu.memory_space<semaphore_mem>>
        %dma_start3A_194 = arith.constant 0 : i32
        %dma_start3A_195 = tpu.memref_slice %arg3[%add3A_154, %dma_start3A_194] : memref<2592x128xi32, #tpu.memory_space<hbm>> -> memref<1x128xi32, #tpu.memory_space<hbm>>
        %dma_start3A_196 = arith.constant 0 : i32
        %dma_start3A_197 = tpu.memref_slice %arg3[%add3A_154, %dma_start3A_196] : memref<2592x128xi32, #tpu.memory_space<hbm>> -> memref<1x128xi32, #tpu.memory_space<hbm>>
        tpu.enqueue_dma source(%dma_start3A_197 : memref<1x128xi32, #tpu.memory_space<hbm>>) target(%arg12 : memref<1x128xi32, #tpu.memory_space<vmem>>) target_semaphore(%run_scoped3A_193 : memref<!tpu.dma_semaphore, #tpu.memory_space<semaphore_mem>>)
        %dma_wait3A_198 = arith.constant 0 : i32
        %dma_wait3A_199 = tpu.memref_slice %arg3[%add3A_154, %dma_wait3A_198] : memref<2592x128xi32, #tpu.memory_space<hbm>> -> memref<1x128xi32, #tpu.memory_space<hbm>>
        %dma_wait3A_200 = arith.constant 0 : i32
        %dma_wait3A_201 = tpu.memref_slice %arg3[%add3A_154, %dma_wait3A_200] : memref<2592x128xi32, #tpu.memory_space<hbm>> -> memref<1x128xi32, #tpu.memory_space<hbm>>
        tpu.wait_dma2 semaphore(%run_scoped3A_193 : memref<!tpu.dma_semaphore, #tpu.memory_space<semaphore_mem>>) src(%dma_wait3A_201 : memref<1x128xi32, #tpu.memory_space<hbm>>) dst(%arg12 : memref<1x128xi32, #tpu.memory_space<vmem>>)
        tpu.yield
      }) : () -> ()
      "tpu.region"() ({
        %run_scoped3A_193 = tpu.sem_alloc : memref<!tpu.dma_semaphore, #tpu.memory_space<semaphore_mem>>
        %dma_start3A_194 = arith.constant 0 : i32
        %dma_start3A_195 = tpu.memref_slice %arg13[%and3A_153, %dma_start3A_194] : memref<2x128xi32, #tpu.memory_space<vmem>> -> memref<1x128xi32, #tpu.memory_space<vmem>>
        %dma_start3A_196 = arith.constant 0 : i32
        %dma_start3A_197 = tpu.memref_slice %arg4[%add3A_154, %dma_start3A_196] : memref<2592x128xi32, #tpu.memory_space<hbm>> -> memref<1x128xi32, #tpu.memory_space<hbm>>
        %dma_start3A_198 = arith.constant 0 : i32
        %dma_start3A_199 = tpu.memref_slice %arg13[%and3A_153, %dma_start3A_198] : memref<2x128xi32, #tpu.memory_space<vmem>> -> memref<1x128xi32, #tpu.memory_space<vmem>>
        %dma_start3A_200 = arith.constant 0 : i32
        %dma_start3A_201 = tpu.memref_slice %arg4[%add3A_154, %dma_start3A_200] : memref<2592x128xi32, #tpu.memory_space<hbm>> -> memref<1x128xi32, #tpu.memory_space<hbm>>
        tpu.enqueue_dma source(%dma_start3A_201 : memref<1x128xi32, #tpu.memory_space<hbm>>) target(%dma_start3A_199 : memref<1x128xi32, #tpu.memory_space<vmem>>) target_semaphore(%run_scoped3A_193 : memref<!tpu.dma_semaphore, #tpu.memory_space<semaphore_mem>>)
        %dma_wait3A_202 = arith.constant 0 : i32
        %dma_wait3A_203 = tpu.memref_slice %arg13[%and3A_153, %dma_wait3A_202] : memref<2x128xi32, #tpu.memory_space<vmem>> -> memref<1x128xi32, #tpu.memory_space<vmem>>
        %dma_wait3A_204 = arith.constant 0 : i32
        %dma_wait3A_205 = tpu.memref_slice %arg4[%add3A_154, %dma_wait3A_204] : memref<2592x128xi32, #tpu.memory_space<hbm>> -> memref<1x128xi32, #tpu.memory_space<hbm>>
        %dma_wait3A_206 = arith.constant 0 : i32
        %dma_wait3A_207 = tpu.memref_slice %arg13[%and3A_153, %dma_wait3A_206] : memref<2x128xi32, #tpu.memory_space<vmem>> -> memref<1x128xi32, #tpu.memory_space<vmem>>
        %dma_wait3A_208 = arith.constant 0 : i32
        %dma_wait3A_209 = tpu.memref_slice %arg4[%add3A_154, %dma_wait3A_208] : memref<2592x128xi32, #tpu.memory_space<hbm>> -> memref<1x128xi32, #tpu.memory_space<hbm>>
        tpu.wait_dma2 semaphore(%run_scoped3A_193 : memref<!tpu.dma_semaphore, #tpu.memory_space<semaphore_mem>>) src(%dma_wait3A_209 : memref<1x128xi32, #tpu.memory_space<hbm>>) dst(%dma_wait3A_207 : memref<1x128xi32, #tpu.memory_space<vmem>>)
        tpu.yield
      }) : () -> ()
      %gt3A = arith.constant 0 : i32
      %gt3A_155 = arith.cmpi sgt, %scan3A_151, %gt3A : i32
      %convert_element_type3A_156 = arith.extui %gt3A_155 : i1 to i32
      %cond3A_157 = arith.constant 0 : i32
      %cond3A_158 = arith.cmpi ne, %convert_element_type3A_156, %cond3A_157 : i32
      scf.if %cond3A_158 {
        %dma_wait3A_193 = arith.constant 0 : i32
        %dma_wait3A_194 = arith.constant 0 : i32
        %dma_wait3A_195 = tpu.memref_slice %arg18[%dma_wait3A_193, %dma_wait3A_194] : memref<10000x128xf32, #tpu.memory_space<vmem_shared>> -> memref<128x128xf32, #tpu.memory_space<vmem_shared>>
        %dma_wait3A_196 = arith.constant 0 : i32
        %dma_wait3A_197 = arith.constant 0 : i32
        %dma_wait3A_198 = tpu.memref_slice %arg18[%dma_wait3A_196, %dma_wait3A_197] : memref<10000x128xf32, #tpu.memory_space<vmem_shared>> -> memref<128x128xf32, #tpu.memory_space<vmem_shared>>
        tpu.wait_dma2 semaphore(%arg21 : memref<!tpu.dma_semaphore, #tpu.memory_space<semaphore_mem>>) src(%arg15 : memref<128x128xf32, #tpu.memory_space<vmem>>) dst(%dma_wait3A_198 : memref<128x128xf32, #tpu.memory_space<vmem_shared>>)
      } else {
      }
      %dma_start3A = arith.constant 0 : i32
      %dma_start3A_159 = arith.constant 0 : i32
      %dma_start3A_160 = tpu.memref_slice %arg12[%dma_start3A, %dma_start3A_159] : memref<1x128xi32, #tpu.memory_space<vmem>> -> memref<1x128xi32, #tpu.memory_space<vmem>>
      %dma_start3A_161 = tpu.memref_squeeze %dma_start3A_160 : memref<1x128xi32, #tpu.memory_space<vmem>> -> memref<128xi32, #tpu.memory_space<vmem>>
      %dma_start3A_162 = arith.constant 0 : i32
      %dma_start3A_163 = arith.constant 0 : i32
      %dma_start3A_164 = tpu.memref_slice %arg2[%dma_start3A_162, %dma_start3A_163] : memref<10000x128xf32, #tpu.memory_space<hbm>> -> memref<10000x128xf32, #tpu.memory_space<hbm>>
      tpu.enqueue_indirect_dma source(%dma_start3A_164 : memref<10000x128xf32, #tpu.memory_space<hbm>>) target(%arg15 : memref<128x128xf32, #tpu.memory_space<vmem>>) offsets(%dma_start3A_161 : memref<128xi32, #tpu.memory_space<vmem>>) semaphore(%arg20 : memref<!tpu.dma_semaphore, #tpu.memory_space<semaphore_mem>>)
      %scan3A_165 = arith.constant 0 : i32
      %scan3A_166 = arith.constant 0 : i32
      %scan3A_167 = arith.constant 8 : i32
      %scan3A_168 = arith.addi %scan3A_166, %scan3A_167 : i32
      %scan3A_169 = arith.constant 1 : i32
      %scan3A_170 = scf.for %scan3A_193 = %scan3A_166 to %scan3A_168 step %scan3A_169 iter_args(%scan3A_194 = %scan3A_165) -> (i32)  : i32 {
        %mul3A_195 = arith.constant 16 : i32
        %mul3A_196 = arith.muli %scan3A_193, %mul3A_195 : i32
        %get3A_197 = arith.constant 0 : i32
        %get3A_198 = arith.index_cast %get3A_197 : i32 to index
        %get3A_199 = arith.index_cast %mul3A_196 : i32 to index
        %get3A_200 = tpu.vector_load %arg12[%get3A_198, %get3A_199] {strides = array<i32>} : memref<1x128xi32, #tpu.memory_space<vmem>>, vector<16xi32>,
        %mul3A_201 = arith.constant 16 : i32
        %mul3A_202 = arith.muli %scan3A_193, %mul3A_201 : i32
        %get3A_203 = arith.index_cast %and3A_153 : i32 to index
        %get3A_204 = arith.index_cast %mul3A_202 : i32 to index
        %get3A_205 = tpu.vector_load %arg13[%get3A_203, %get3A_204] {strides = array<i32>} : memref<2x128xi32, #tpu.memory_space<vmem>>, vector<16xi32>,
        %shift_right_logical3A = arith.constant 4 : i32
        %shift_right_logical3A_206 = vector.broadcast %shift_right_logical3A : i32 to vector<16xi32>
        %shift_right_logical3A_207 = arith.shrui %get3A_200, %shift_right_logical3A_206 : vector<16xi32>
        %and3A_208 = arith.constant 15 : i32
        %and3A_209 = vector.broadcast %and3A_208 : i32 to vector<16xi32>
        %and3A_210 = arith.andi %get3A_200, %and3A_209 : vector<16xi32>
        %gather3A_211 = tpu.vector_load_idx %arg10[%shift_right_logical3A_207, %and3A_210] : memref<625x16xf32, #tpu.memory_space<vmem>>[vector<16xi32>, vector<16xi32>], vector<16xf32>,
        %shift_right_logical3A_212 = arith.constant 4 : i32
        %shift_right_logical3A_213 = vector.broadcast %shift_right_logical3A_212 : i32 to vector<16xi32>
        %shift_right_logical3A_214 = arith.shrui %get3A_205, %shift_right_logical3A_213 : vector<16xi32>
        %and3A_215 = arith.constant 15 : i32
        %and3A_216 = vector.broadcast %and3A_215 : i32 to vector<16xi32>
        %and3A_217 = arith.andi %get3A_205, %and3A_216 : vector<16xi32>
        %gather3A_218 = tpu.vector_load_idx %arg11[%shift_right_logical3A_214, %and3A_217] : memref<625x16xf32, #tpu.memory_space<vmem>>[vector<16xi32>, vector<16xi32>], vector<16xf32>,
        %add3A_219 = arith.addf %gather3A_211, %gather3A_218 : vector<16xf32>
        %ge3A = arith.constant 0.000000e+00 : f32
        %ge3A_220 = vector.broadcast %ge3A : f32 to vector<16xf32>
        %ge3A_221 = arith.cmpf oge, %add3A_219, %ge3A_220 : vector<16xf32>
        %mul3A_222 = arith.constant 2.000000e-01 : f32
        %mul3A_223 = vector.broadcast %mul3A_222 : f32 to vector<16xf32>
        %mul3A_224 = arith.mulf %mul3A_223, %add3A_219 : vector<16xf32>
        %select_n3A_225 = arith.select %ge3A_221, %add3A_219, %mul3A_224 : vector<16xi1>, vector<16xf32>
        %add3A_226 = arith.addf %max3A_123, %gather3A_218 : vector<16xf32>
        %ge3A_227 = arith.constant 0.000000e+00 : f32
        %ge3A_228 = vector.broadcast %ge3A_227 : f32 to vector<16xf32>
        %ge3A_229 = arith.cmpf oge, %add3A_226, %ge3A_228 : vector<16xf32>
        %mul3A_230 = arith.constant 2.000000e-01 : f32
        %mul3A_231 = vector.broadcast %mul3A_230 : f32 to vector<16xf32>
        %mul3A_232 = arith.mulf %mul3A_231, %add3A_226 : vector<16xf32>
        %select_n3A_233 = arith.select %ge3A_229, %add3A_226, %mul3A_232 : vector<16xi1>, vector<16xf32>
        %sub3A = arith.subf %select_n3A_225, %select_n3A_233 : vector<16xf32>
        %exp3A = math.exp %sub3A : vector<16xf32>
        %mul3A_234 = arith.constant 128 : i32
        %mul3A_235 = arith.muli %add3A_154, %mul3A_234 : i32
        %mul3A_236 = arith.constant 16 : i32
        %mul3A_237 = arith.muli %scan3A_193, %mul3A_236 : i32
        %add3A_238 = arith.addi %mul3A_235, %mul3A_237 : i32
        %add3A_239 = vector.broadcast %add3A_238 : i32 to vector<16xi32>
        %add3A_240 = arith.addi %add3A_239, %iota3A : vector<16xi32>
        %lt3A_241 = arith.constant 330000 : i32
        %lt3A_242 = vector.broadcast %lt3A_241 : i32 to vector<16xi32>
        %lt3A_243 = arith.cmpi slt, %add3A_240, %lt3A_242 : vector<16xi32>
        %jit3A = arith.constant 0.000000e+00 : f32
        %broadcast_in_dim3A_244 = vector.broadcast %jit3A : f32 to vector<16xf32>
        %select_n3A_245 = arith.select %lt3A_243, %exp3A, %broadcast_in_dim3A_244 : vector<16xi1>, vector<16xf32>
        %mul3A_246 = arith.constant 16 : i32
        %mul3A_247 = arith.muli %scan3A_193, %mul3A_246 : i32
        %swap3A = arith.constant 0 : i32
        %swap3A_248 = arith.index_cast %swap3A : i32 to index
        %swap3A_249 = arith.index_cast %mul3A_247 : i32 to index
        %swap3A_250 = tpu.vector_load %arg14[%swap3A_248, %swap3A_249] {strides = array<i32>} : memref<1x128xf32, #tpu.memory_space<vmem>>, vector<16xf32>,
        tpu.vector_store %arg14[%swap3A_248, %swap3A_249], %select_n3A_245 {strides = array<i32>} : memref<1x128xf32, #tpu.memory_space<vmem>>, vector<16xf32>,
        %shift_right_logical3A_251 = arith.constant 4 : i32
        %shift_right_logical3A_252 = vector.broadcast %shift_right_logical3A_251 : i32 to vector<16xi32>
        %shift_right_logical3A_253 = arith.shrui %get3A_205, %shift_right_logical3A_252 : vector<16xi32>
        %and3A_254 = arith.constant 15 : i32
        %and3A_255 = vector.broadcast %and3A_254 : i32 to vector<16xi32>
        %and3A_256 = arith.andi %get3A_205, %and3A_255 : vector<16xi32>
        tpu.vector_store_idx %arg16[%shift_right_logical3A_253, %and3A_256], %select_n3A_245 {add = true} : memref<640x16xf32, #tpu.memory_space<vmem>>[vector<16xi32>, vector<16xi32>], vector<16xf32>,
        %scan3A_257 = arith.constant 0 : i32
        scf.yield %scan3A_257 : i32
      }
      %scan3A_171 = arith.constant 8 : i32
      %dma_wait3A_172 = arith.constant 0 : i32
      %dma_wait3A_173 = arith.constant 0 : i32
      %dma_wait3A_174 = tpu.memref_slice %arg12[%dma_wait3A_172, %dma_wait3A_173] : memref<1x128xi32, #tpu.memory_space<vmem>> -> memref<1x128xi32, #tpu.memory_space<vmem>>
      %dma_wait3A_175 = tpu.memref_squeeze %dma_wait3A_174 : memref<1x128xi32, #tpu.memory_space<vmem>> -> memref<128xi32, #tpu.memory_space<vmem>>
      %dma_wait3A_176 = arith.constant 0 : i32
      %dma_wait3A_177 = arith.constant 0 : i32
      %dma_wait3A_178 = tpu.memref_slice %arg2[%dma_wait3A_176, %dma_wait3A_177] : memref<10000x128xf32, #tpu.memory_space<hbm>> -> memref<10000x128xf32, #tpu.memory_space<hbm>>
      tpu.wait_indirect_dma semaphore(%arg20 : memref<!tpu.dma_semaphore, #tpu.memory_space<semaphore_mem>>) src(%dma_wait3A_178 : memref<10000x128xf32, #tpu.memory_space<hbm>>) dst(%arg15 : memref<128x128xf32, #tpu.memory_space<vmem>>)
      %scan3A_179 = arith.constant 0 : i32
      %scan3A_180 = arith.constant 0 : i32
      %scan3A_181 = arith.constant 32 : i32
      %scan3A_182 = arith.addi %scan3A_180, %scan3A_181 : i32
      %scan3A_183 = arith.constant 1 : i32
      %scan3A_184 = scf.for %scan3A_193 = %scan3A_180 to %scan3A_182 step %scan3A_183 iter_args(%scan3A_194 = %scan3A_179) -> (i32)  : i32 {
        %mul3A_195 = arith.constant 4 : i32
        %mul3A_196 = arith.muli %scan3A_193, %mul3A_195 : i32
        %add3A_197 = arith.constant 0 : i32
        %add3A_198 = arith.addi %mul3A_196, %add3A_197 : i32
        %broadcast_in_dim3A_199 = arith.constant 0 : i32
        %broadcast_in_dim3A_200 = vector.broadcast %broadcast_in_dim3A_199 : i32 to vector<16xi32>
        %broadcast_in_dim3A_201 = vector.broadcast %add3A_198 : i32 to vector<16xi32>
        %gather3A_202 = tpu.vector_load_idx %arg14[%broadcast_in_dim3A_200, %broadcast_in_dim3A_201] : memref<1x128xf32, #tpu.memory_space<vmem>>[vector<16xi32>, vector<16xi32>], vector<16xf32>,
        %get3A_203 = arith.index_cast %add3A_198 : i32 to index
        %get3A_204 = arith.constant 0 : index
        %get3A_205 = tpu.vector_load %arg15[%get3A_203, %get3A_204] {strides = array<i32>} : memref<128x128xf32, #tpu.memory_space<vmem>>, vector<16xf32>,
        %mul3A_206 = arith.mulf %get3A_205, %gather3A_202 : vector<16xf32>
        %swap3A = arith.index_cast %add3A_198 : i32 to index
        %swap3A_207 = arith.constant 0 : index
        %swap3A_208 = tpu.vector_load %arg15[%swap3A, %swap3A_207] {strides = array<i32>} : memref<128x128xf32, #tpu.memory_space<vmem>>, vector<16xf32>,
        tpu.vector_store %arg15[%swap3A, %swap3A_207], %mul3A_206 {strides = array<i32>} : memref<128x128xf32, #tpu.memory_space<vmem>>, vector<16xf32>,
        %get3A_209 = arith.index_cast %add3A_198 : i32 to index
        %get3A_210 = arith.constant 16 : index
        %get3A_211 = tpu.vector_load %arg15[%get3A_209, %get3A_210] {strides = array<i32>} : memref<128x128xf32, #tpu.memory_space<vmem>>, vector<16xf32>,
        %mul3A_212 = arith.mulf %get3A_211, %gather3A_202 : vector<16xf32>
        %swap3A_213 = arith.index_cast %add3A_198 : i32 to index
        %swap3A_214 = arith.constant 16 : index
        %swap3A_215 = tpu.vector_load %arg15[%swap3A_213, %swap3A_214] {strides = array<i32>} : memref<128x128xf32, #tpu.memory_space<vmem>>, vector<16xf32>,
        tpu.vector_store %arg15[%swap3A_213, %swap3A_214], %mul3A_212 {strides = array<i32>} : memref<128x128xf32, #tpu.memory_space<vmem>>, vector<16xf32>,
        %get3A_216 = arith.index_cast %add3A_198 : i32 to index
        %get3A_217 = arith.constant 32 : index
        %get3A_218 = tpu.vector_load %arg15[%get3A_216, %get3A_217] {strides = array<i32>} : memref<128x128xf32, #tpu.memory_space<vmem>>, vector<16xf32>,
        %mul3A_219 = arith.mulf %get3A_218, %gather3A_202 : vector<16xf32>
        %swap3A_220 = arith.index_cast %add3A_198 : i32 to index
        %swap3A_221 = arith.constant 32 : index
        %swap3A_222 = tpu.vector_load %arg15[%swap3A_220, %swap3A_221] {strides = array<i32>} : memref<128x128xf32, #tpu.memory_space<vmem>>, vector<16xf32>,
        tpu.vector_store %arg15[%swap3A_220, %swap3A_221], %mul3A_219 {strides = array<i32>} : memref<128x128xf32, #tpu.memory_space<vmem>>, vector<16xf32>,
        %get3A_223 = arith.index_cast %add3A_198 : i32 to index
        %get3A_224 = arith.constant 48 : index
        %get3A_225 = tpu.vector_load %arg15[%get3A_223, %get3A_224] {strides = array<i32>} : memref<128x128xf32, #tpu.memory_space<vmem>>, vector<16xf32>,
        %mul3A_226 = arith.mulf %get3A_225, %gather3A_202 : vector<16xf32>
        %swap3A_227 = arith.index_cast %add3A_198 : i32 to index
        %swap3A_228 = arith.constant 48 : index
        %swap3A_229 = tpu.vector_load %arg15[%swap3A_227, %swap3A_228] {strides = array<i32>} : memref<128x128xf32, #tpu.memory_space<vmem>>, vector<16xf32>,
        tpu.vector_store %arg15[%swap3A_227, %swap3A_228], %mul3A_226 {strides = array<i32>} : memref<128x128xf32, #tpu.memory_space<vmem>>, vector<16xf32>,
        %get3A_230 = arith.index_cast %add3A_198 : i32 to index
        %get3A_231 = arith.constant 64 : index
        %get3A_232 = tpu.vector_load %arg15[%get3A_230, %get3A_231] {strides = array<i32>} : memref<128x128xf32, #tpu.memory_space<vmem>>, vector<16xf32>,
        %mul3A_233 = arith.mulf %get3A_232, %gather3A_202 : vector<16xf32>
        %swap3A_234 = arith.index_cast %add3A_198 : i32 to index
        %swap3A_235 = arith.constant 64 : index
        %swap3A_236 = tpu.vector_load %arg15[%swap3A_234, %swap3A_235] {strides = array<i32>} : memref<128x128xf32, #tpu.memory_space<vmem>>, vector<16xf32>,
        tpu.vector_store %arg15[%swap3A_234, %swap3A_235], %mul3A_233 {strides = array<i32>} : memref<128x128xf32, #tpu.memory_space<vmem>>, vector<16xf32>,
        %get3A_237 = arith.index_cast %add3A_198 : i32 to index
        %get3A_238 = arith.constant 80 : index
        %get3A_239 = tpu.vector_load %arg15[%get3A_237, %get3A_238] {strides = array<i32>} : memref<128x128xf32, #tpu.memory_space<vmem>>, vector<16xf32>,
        %mul3A_240 = arith.mulf %get3A_239, %gather3A_202 : vector<16xf32>
        %swap3A_241 = arith.index_cast %add3A_198 : i32 to index
        %swap3A_242 = arith.constant 80 : index
        %swap3A_243 = tpu.vector_load %arg15[%swap3A_241, %swap3A_242] {strides = array<i32>} : memref<128x128xf32, #tpu.memory_space<vmem>>, vector<16xf32>,
        tpu.vector_store %arg15[%swap3A_241, %swap3A_242], %mul3A_240 {strides = array<i32>} : memref<128x128xf32, #tpu.memory_space<vmem>>, vector<16xf32>,
        %get3A_244 = arith.index_cast %add3A_198 : i32 to index
        %get3A_245 = arith.constant 96 : index
        %get3A_246 = tpu.vector_load %arg15[%get3A_244, %get3A_245] {strides = array<i32>} : memref<128x128xf32, #tpu.memory_space<vmem>>, vector<16xf32>,
        %mul3A_247 = arith.mulf %get3A_246, %gather3A_202 : vector<16xf32>
        %swap3A_248 = arith.index_cast %add3A_198 : i32 to index
        %swap3A_249 = arith.constant 96 : index
        %swap3A_250 = tpu.vector_load %arg15[%swap3A_248, %swap3A_249] {strides = array<i32>} : memref<128x128xf32, #tpu.memory_space<vmem>>, vector<16xf32>,
        tpu.vector_store %arg15[%swap3A_248, %swap3A_249], %mul3A_247 {strides = array<i32>} : memref<128x128xf32, #tpu.memory_space<vmem>>, vector<16xf32>,
        %get3A_251 = arith.index_cast %add3A_198 : i32 to index
        %get3A_252 = arith.constant 112 : index
        %get3A_253 = tpu.vector_load %arg15[%get3A_251, %get3A_252] {strides = array<i32>} : memref<128x128xf32, #tpu.memory_space<vmem>>, vector<16xf32>,
        %mul3A_254 = arith.mulf %get3A_253, %gather3A_202 : vector<16xf32>
        %swap3A_255 = arith.index_cast %add3A_198 : i32 to index
        %swap3A_256 = arith.constant 112 : index
        %swap3A_257 = tpu.vector_load %arg15[%swap3A_255, %swap3A_256] {strides = array<i32>} : memref<128x128xf32, #tpu.memory_space<vmem>>, vector<16xf32>,
        tpu.vector_store %arg15[%swap3A_255, %swap3A_256], %mul3A_254 {strides = array<i32>} : memref<128x128xf32, #tpu.memory_space<vmem>>, vector<16xf32>,
        %mul3A_258 = arith.constant 4 : i32
        %mul3A_259 = arith.muli %scan3A_193, %mul3A_258 : i32
        %add3A_260 = arith.constant 1 : i32
        %add3A_261 = arith.addi %mul3A_259, %add3A_260 : i32
        %broadcast_in_dim3A_262 = arith.constant 0 : i32
        %broadcast_in_dim3A_263 = vector.broadcast %broadcast_in_dim3A_262 : i32 to vector<16xi32>
        %broadcast_in_dim3A_264 = vector.broadcast %add3A_261 : i32 to vector<16xi32>
        %gather3A_265 = tpu.vector_load_idx %arg14[%broadcast_in_dim3A_263, %broadcast_in_dim3A_264] : memref<1x128xf32, #tpu.memory_space<vmem>>[vector<16xi32>, vector<16xi32>], vector<16xf32>,
        %get3A_266 = arith.index_cast %add3A_261 : i32 to index
        %get3A_267 = arith.constant 0 : index
        %get3A_268 = tpu.vector_load %arg15[%get3A_266, %get3A_267] {strides = array<i32>} : memref<128x128xf32, #tpu.memory_space<vmem>>, vector<16xf32>,
        %mul3A_269 = arith.mulf %get3A_268, %gather3A_265 : vector<16xf32>
        %swap3A_270 = arith.index_cast %add3A_261 : i32 to index
        %swap3A_271 = arith.constant 0 : index
        %swap3A_272 = tpu.vector_load %arg15[%swap3A_270, %swap3A_271] {strides = array<i32>} : memref<128x128xf32, #tpu.memory_space<vmem>>, vector<16xf32>,
        tpu.vector_store %arg15[%swap3A_270, %swap3A_271], %mul3A_269 {strides = array<i32>} : memref<128x128xf32, #tpu.memory_space<vmem>>, vector<16xf32>,
        %get3A_273 = arith.index_cast %add3A_261 : i32 to index
        %get3A_274 = arith.constant 16 : index
        %get3A_275 = tpu.vector_load %arg15[%get3A_273, %get3A_274] {strides = array<i32>} : memref<128x128xf32, #tpu.memory_space<vmem>>, vector<16xf32>,
        %mul3A_276 = arith.mulf %get3A_275, %gather3A_265 : vector<16xf32>
        %swap3A_277 = arith.index_cast %add3A_261 : i32 to index
        %swap3A_278 = arith.constant 16 : index
        %swap3A_279 = tpu.vector_load %arg15[%swap3A_277, %swap3A_278] {strides = array<i32>} : memref<128x128xf32, #tpu.memory_space<vmem>>, vector<16xf32>,
        tpu.vector_store %arg15[%swap3A_277, %swap3A_278], %mul3A_276 {strides = array<i32>} : memref<128x128xf32, #tpu.memory_space<vmem>>, vector<16xf32>,
        %get3A_280 = arith.index_cast %add3A_261 : i32 to index
        %get3A_281 = arith.constant 32 : index
        %get3A_282 = tpu.vector_load %arg15[%get3A_280, %get3A_281] {strides = array<i32>} : memref<128x128xf32, #tpu.memory_space<vmem>>, vector<16xf32>,
        %mul3A_283 = arith.mulf %get3A_282, %gather3A_265 : vector<16xf32>
        %swap3A_284 = arith.index_cast %add3A_261 : i32 to index
        %swap3A_285 = arith.constant 32 : index
        %swap3A_286 = tpu.vector_load %arg15[%swap3A_284, %swap3A_285] {strides = array<i32>} : memref<128x128xf32, #tpu.memory_space<vmem>>, vector<16xf32>,
        tpu.vector_store %arg15[%swap3A_284, %swap3A_285], %mul3A_283 {strides = array<i32>} : memref<128x128xf32, #tpu.memory_space<vmem>>, vector<16xf32>,
        %get3A_287 = arith.index_cast %add3A_261 : i32 to index
        %get3A_288 = arith.constant 48 : index
        %get3A_289 = tpu.vector_load %arg15[%get3A_287, %get3A_288] {strides = array<i32>} : memref<128x128xf32, #tpu.memory_space<vmem>>, vector<16xf32>,
        %mul3A_290 = arith.mulf %get3A_289, %gather3A_265 : vector<16xf32>
        %swap3A_291 = arith.index_cast %add3A_261 : i32 to index
        %swap3A_292 = arith.constant 48 : index
        %swap3A_293 = tpu.vector_load %arg15[%swap3A_291, %swap3A_292] {strides = array<i32>} : memref<128x128xf32, #tpu.memory_space<vmem>>, vector<16xf32>,
        tpu.vector_store %arg15[%swap3A_291, %swap3A_292], %mul3A_290 {strides = array<i32>} : memref<128x128xf32, #tpu.memory_space<vmem>>, vector<16xf32>,
        %get3A_294 = arith.index_cast %add3A_261 : i32 to index
        %get3A_295 = arith.constant 64 : index
        %get3A_296 = tpu.vector_load %arg15[%get3A_294, %get3A_295] {strides = array<i32>} : memref<128x128xf32, #tpu.memory_space<vmem>>, vector<16xf32>,
        %mul3A_297 = arith.mulf %get3A_296, %gather3A_265 : vector<16xf32>
        %swap3A_298 = arith.index_cast %add3A_261 : i32 to index
        %swap3A_299 = arith.constant 64 : index
        %swap3A_300 = tpu.vector_load %arg15[%swap3A_298, %swap3A_299] {strides = array<i32>} : memref<128x128xf32, #tpu.memory_space<vmem>>, vector<16xf32>,
        tpu.vector_store %arg15[%swap3A_298, %swap3A_299], %mul3A_297 {strides = array<i32>} : memref<128x128xf32, #tpu.memory_space<vmem>>, vector<16xf32>,
        %get3A_301 = arith.index_cast %add3A_261 : i32 to index
        %get3A_302 = arith.constant 80 : index
        %get3A_303 = tpu.vector_load %arg15[%get3A_301, %get3A_302] {strides = array<i32>} : memref<128x128xf32, #tpu.memory_space<vmem>>, vector<16xf32>,
        %mul3A_304 = arith.mulf %get3A_303, %gather3A_265 : vector<16xf32>
        %swap3A_305 = arith.index_cast %add3A_261 : i32 to index
        %swap3A_306 = arith.constant 80 : index
        %swap3A_307 = tpu.vector_load %arg15[%swap3A_305, %swap3A_306] {strides = array<i32>} : memref<128x128xf32, #tpu.memory_space<vmem>>, vector<16xf32>,
        tpu.vector_store %arg15[%swap3A_305, %swap3A_306], %mul3A_304 {strides = array<i32>} : memref<128x128xf32, #tpu.memory_space<vmem>>, vector<16xf32>,
        %get3A_308 = arith.index_cast %add3A_261 : i32 to index
        %get3A_309 = arith.constant 96 : index
        %get3A_310 = tpu.vector_load %arg15[%get3A_308, %get3A_309] {strides = array<i32>} : memref<128x128xf32, #tpu.memory_space<vmem>>, vector<16xf32>,
        %mul3A_311 = arith.mulf %get3A_310, %gather3A_265 : vector<16xf32>
        %swap3A_312 = arith.index_cast %add3A_261 : i32 to index
        %swap3A_313 = arith.constant 96 : index
        %swap3A_314 = tpu.vector_load %arg15[%swap3A_312, %swap3A_313] {strides = array<i32>} : memref<128x128xf32, #tpu.memory_space<vmem>>, vector<16xf32>,
        tpu.vector_store %arg15[%swap3A_312, %swap3A_313], %mul3A_311 {strides = array<i32>} : memref<128x128xf32, #tpu.memory_space<vmem>>, vector<16xf32>,
        %get3A_315 = arith.index_cast %add3A_261 : i32 to index
        %get3A_316 = arith.constant 112 : index
        %get3A_317 = tpu.vector_load %arg15[%get3A_315, %get3A_316] {strides = array<i32>} : memref<128x128xf32, #tpu.memory_space<vmem>>, vector<16xf32>,
        %mul3A_318 = arith.mulf %get3A_317, %gather3A_265 : vector<16xf32>
        %swap3A_319 = arith.index_cast %add3A_261 : i32 to index
        %swap3A_320 = arith.constant 112 : index
        %swap3A_321 = tpu.vector_load %arg15[%swap3A_319, %swap3A_320] {strides = array<i32>} : memref<128x128xf32, #tpu.memory_space<vmem>>, vector<16xf32>,
        tpu.vector_store %arg15[%swap3A_319, %swap3A_320], %mul3A_318 {strides = array<i32>} : memref<128x128xf32, #tpu.memory_space<vmem>>, vector<16xf32>,
        %mul3A_322 = arith.constant 4 : i32
        %mul3A_323 = arith.muli %scan3A_193, %mul3A_322 : i32
        %add3A_324 = arith.constant 2 : i32
        %add3A_325 = arith.addi %mul3A_323, %add3A_324 : i32
        %broadcast_in_dim3A_326 = arith.constant 0 : i32
        %broadcast_in_dim3A_327 = vector.broadcast %broadcast_in_dim3A_326 : i32 to vector<16xi32>
        %broadcast_in_dim3A_328 = vector.broadcast %add3A_325 : i32 to vector<16xi32>
        %gather3A_329 = tpu.vector_load_idx %arg14[%broadcast_in_dim3A_327, %broadcast_in_dim3A_328] : memref<1x128xf32, #tpu.memory_space<vmem>>[vector<16xi32>, vector<16xi32>], vector<16xf32>,
        %get3A_330 = arith.index_cast %add3A_325 : i32 to index
        %get3A_331 = arith.constant 0 : index
        %get3A_332 = tpu.vector_load %arg15[%get3A_330, %get3A_331] {strides = array<i32>} : memref<128x128xf32, #tpu.memory_space<vmem>>, vector<16xf32>,
        %mul3A_333 = arith.mulf %get3A_332, %gather3A_329 : vector<16xf32>
        %swap3A_334 = arith.index_cast %add3A_325 : i32 to index
        %swap3A_335 = arith.constant 0 : index
        %swap3A_336 = tpu.vector_load %arg15[%swap3A_334, %swap3A_335] {strides = array<i32>} : memref<128x128xf32, #tpu.memory_space<vmem>>, vector<16xf32>,
        tpu.vector_store %arg15[%swap3A_334, %swap3A_335], %mul3A_333 {strides = array<i32>} : memref<128x128xf32, #tpu.memory_space<vmem>>, vector<16xf32>,
        %get3A_337 = arith.index_cast %add3A_325 : i32 to index
        %get3A_338 = arith.constant 16 : index
        %get3A_339 = tpu.vector_load %arg15[%get3A_337, %get3A_338] {strides = array<i32>} : memref<128x128xf32, #tpu.memory_space<vmem>>, vector<16xf32>,
        %mul3A_340 = arith.mulf %get3A_339, %gather3A_329 : vector<16xf32>
        %swap3A_341 = arith.index_cast %add3A_325 : i32 to index
        %swap3A_342 = arith.constant 16 : index
        %swap3A_343 = tpu.vector_load %arg15[%swap3A_341, %swap3A_342] {strides = array<i32>} : memref<128x128xf32, #tpu.memory_space<vmem>>, vector<16xf32>,
        tpu.vector_store %arg15[%swap3A_341, %swap3A_342], %mul3A_340 {strides = array<i32>} : memref<128x128xf32, #tpu.memory_space<vmem>>, vector<16xf32>,
        %get3A_344 = arith.index_cast %add3A_325 : i32 to index
        %get3A_345 = arith.constant 32 : index
        %get3A_346 = tpu.vector_load %arg15[%get3A_344, %get3A_345] {strides = array<i32>} : memref<128x128xf32, #tpu.memory_space<vmem>>, vector<16xf32>,
        %mul3A_347 = arith.mulf %get3A_346, %gather3A_329 : vector<16xf32>
        %swap3A_348 = arith.index_cast %add3A_325 : i32 to index
        %swap3A_349 = arith.constant 32 : index
        %swap3A_350 = tpu.vector_load %arg15[%swap3A_348, %swap3A_349] {strides = array<i32>} : memref<128x128xf32, #tpu.memory_space<vmem>>, vector<16xf32>,
        tpu.vector_store %arg15[%swap3A_348, %swap3A_349], %mul3A_347 {strides = array<i32>} : memref<128x128xf32, #tpu.memory_space<vmem>>, vector<16xf32>,
        %get3A_351 = arith.index_cast %add3A_325 : i32 to index
        %get3A_352 = arith.constant 48 : index
        %get3A_353 = tpu.vector_load %arg15[%get3A_351, %get3A_352] {strides = array<i32>} : memref<128x128xf32, #tpu.memory_space<vmem>>, vector<16xf32>,
        %mul3A_354 = arith.mulf %get3A_353, %gather3A_329 : vector<16xf32>
        %swap3A_355 = arith.index_cast %add3A_325 : i32 to index
        %swap3A_356 = arith.constant 48 : index
        %swap3A_357 = tpu.vector_load %arg15[%swap3A_355, %swap3A_356] {strides = array<i32>} : memref<128x128xf32, #tpu.memory_space<vmem>>, vector<16xf32>,
        tpu.vector_store %arg15[%swap3A_355, %swap3A_356], %mul3A_354 {strides = array<i32>} : memref<128x128xf32, #tpu.memory_space<vmem>>, vector<16xf32>,
        %get3A_358 = arith.index_cast %add3A_325 : i32 to index
        %get3A_359 = arith.constant 64 : index
        %get3A_360 = tpu.vector_load %arg15[%get3A_358, %get3A_359] {strides = array<i32>} : memref<128x128xf32, #tpu.memory_space<vmem>>, vector<16xf32>,
        %mul3A_361 = arith.mulf %get3A_360, %gather3A_329 : vector<16xf32>
        %swap3A_362 = arith.index_cast %add3A_325 : i32 to index
        %swap3A_363 = arith.constant 64 : index
        %swap3A_364 = tpu.vector_load %arg15[%swap3A_362, %swap3A_363] {strides = array<i32>} : memref<128x128xf32, #tpu.memory_space<vmem>>, vector<16xf32>,
        tpu.vector_store %arg15[%swap3A_362, %swap3A_363], %mul3A_361 {strides = array<i32>} : memref<128x128xf32, #tpu.memory_space<vmem>>, vector<16xf32>,
        %get3A_365 = arith.index_cast %add3A_325 : i32 to index
        %get3A_366 = arith.constant 80 : index
        %get3A_367 = tpu.vector_load %arg15[%get3A_365, %get3A_366] {strides = array<i32>} : memref<128x128xf32, #tpu.memory_space<vmem>>, vector<16xf32>,
        %mul3A_368 = arith.mulf %get3A_367, %gather3A_329 : vector<16xf32>
        %swap3A_369 = arith.index_cast %add3A_325 : i32 to index
        %swap3A_370 = arith.constant 80 : index
        %swap3A_371 = tpu.vector_load %arg15[%swap3A_369, %swap3A_370] {strides = array<i32>} : memref<128x128xf32, #tpu.memory_space<vmem>>, vector<16xf32>,
        tpu.vector_store %arg15[%swap3A_369, %swap3A_370], %mul3A_368 {strides = array<i32>} : memref<128x128xf32, #tpu.memory_space<vmem>>, vector<16xf32>,
        %get3A_372 = arith.index_cast %add3A_325 : i32 to index
        %get3A_373 = arith.constant 96 : index
        %get3A_374 = tpu.vector_load %arg15[%get3A_372, %get3A_373] {strides = array<i32>} : memref<128x128xf32, #tpu.memory_space<vmem>>, vector<16xf32>,
        %mul3A_375 = arith.mulf %get3A_374, %gather3A_329 : vector<16xf32>
        %swap3A_376 = arith.index_cast %add3A_325 : i32 to index
        %swap3A_377 = arith.constant 96 : index
        %swap3A_378 = tpu.vector_load %arg15[%swap3A_376, %swap3A_377] {strides = array<i32>} : memref<128x128xf32, #tpu.memory_space<vmem>>, vector<16xf32>,
        tpu.vector_store %arg15[%swap3A_376, %swap3A_377], %mul3A_375 {strides = array<i32>} : memref<128x128xf32, #tpu.memory_space<vmem>>, vector<16xf32>,
        %get3A_379 = arith.index_cast %add3A_325 : i32 to index
        %get3A_380 = arith.constant 112 : index
        %get3A_381 = tpu.vector_load %arg15[%get3A_379, %get3A_380] {strides = array<i32>} : memref<128x128xf32, #tpu.memory_space<vmem>>, vector<16xf32>,
        %mul3A_382 = arith.mulf %get3A_381, %gather3A_329 : vector<16xf32>
        %swap3A_383 = arith.index_cast %add3A_325 : i32 to index
        %swap3A_384 = arith.constant 112 : index
        %swap3A_385 = tpu.vector_load %arg15[%swap3A_383, %swap3A_384] {strides = array<i32>} : memref<128x128xf32, #tpu.memory_space<vmem>>, vector<16xf32>,
        tpu.vector_store %arg15[%swap3A_383, %swap3A_384], %mul3A_382 {strides = array<i32>} : memref<128x128xf32, #tpu.memory_space<vmem>>, vector<16xf32>,
        %mul3A_386 = arith.constant 4 : i32
        %mul3A_387 = arith.muli %scan3A_193, %mul3A_386 : i32
        %add3A_388 = arith.constant 3 : i32
        %add3A_389 = arith.addi %mul3A_387, %add3A_388 : i32
        %broadcast_in_dim3A_390 = arith.constant 0 : i32
        %broadcast_in_dim3A_391 = vector.broadcast %broadcast_in_dim3A_390 : i32 to vector<16xi32>
        %broadcast_in_dim3A_392 = vector.broadcast %add3A_389 : i32 to vector<16xi32>
        %gather3A_393 = tpu.vector_load_idx %arg14[%broadcast_in_dim3A_391, %broadcast_in_dim3A_392] : memref<1x128xf32, #tpu.memory_space<vmem>>[vector<16xi32>, vector<16xi32>], vector<16xf32>,
        %get3A_394 = arith.index_cast %add3A_389 : i32 to index
        %get3A_395 = arith.constant 0 : index
        %get3A_396 = tpu.vector_load %arg15[%get3A_394, %get3A_395] {strides = array<i32>} : memref<128x128xf32, #tpu.memory_space<vmem>>, vector<16xf32>,
        %mul3A_397 = arith.mulf %get3A_396, %gather3A_393 : vector<16xf32>
        %swap3A_398 = arith.index_cast %add3A_389 : i32 to index
        %swap3A_399 = arith.constant 0 : index
        %swap3A_400 = tpu.vector_load %arg15[%swap3A_398, %swap3A_399] {strides = array<i32>} : memref<128x128xf32, #tpu.memory_space<vmem>>, vector<16xf32>,
        tpu.vector_store %arg15[%swap3A_398, %swap3A_399], %mul3A_397 {strides = array<i32>} : memref<128x128xf32, #tpu.memory_space<vmem>>, vector<16xf32>,
        %get3A_401 = arith.index_cast %add3A_389 : i32 to index
        %get3A_402 = arith.constant 16 : index
        %get3A_403 = tpu.vector_load %arg15[%get3A_401, %get3A_402] {strides = array<i32>} : memref<128x128xf32, #tpu.memory_space<vmem>>, vector<16xf32>,
        %mul3A_404 = arith.mulf %get3A_403, %gather3A_393 : vector<16xf32>
        %swap3A_405 = arith.index_cast %add3A_389 : i32 to index
        %swap3A_406 = arith.constant 16 : index
        %swap3A_407 = tpu.vector_load %arg15[%swap3A_405, %swap3A_406] {strides = array<i32>} : memref<128x128xf32, #tpu.memory_space<vmem>>, vector<16xf32>,
        tpu.vector_store %arg15[%swap3A_405, %swap3A_406], %mul3A_404 {strides = array<i32>} : memref<128x128xf32, #tpu.memory_space<vmem>>, vector<16xf32>,
        %get3A_408 = arith.index_cast %add3A_389 : i32 to index
        %get3A_409 = arith.constant 32 : index
        %get3A_410 = tpu.vector_load %arg15[%get3A_408, %get3A_409] {strides = array<i32>} : memref<128x128xf32, #tpu.memory_space<vmem>>, vector<16xf32>,
        %mul3A_411 = arith.mulf %get3A_410, %gather3A_393 : vector<16xf32>
        %swap3A_412 = arith.index_cast %add3A_389 : i32 to index
        %swap3A_413 = arith.constant 32 : index
        %swap3A_414 = tpu.vector_load %arg15[%swap3A_412, %swap3A_413] {strides = array<i32>} : memref<128x128xf32, #tpu.memory_space<vmem>>, vector<16xf32>,
        tpu.vector_store %arg15[%swap3A_412, %swap3A_413], %mul3A_411 {strides = array<i32>} : memref<128x128xf32, #tpu.memory_space<vmem>>, vector<16xf32>,
        %get3A_415 = arith.index_cast %add3A_389 : i32 to index
        %get3A_416 = arith.constant 48 : index
        %get3A_417 = tpu.vector_load %arg15[%get3A_415, %get3A_416] {strides = array<i32>} : memref<128x128xf32, #tpu.memory_space<vmem>>, vector<16xf32>,
        %mul3A_418 = arith.mulf %get3A_417, %gather3A_393 : vector<16xf32>
        %swap3A_419 = arith.index_cast %add3A_389 : i32 to index
        %swap3A_420 = arith.constant 48 : index
        %swap3A_421 = tpu.vector_load %arg15[%swap3A_419, %swap3A_420] {strides = array<i32>} : memref<128x128xf32, #tpu.memory_space<vmem>>, vector<16xf32>,
        tpu.vector_store %arg15[%swap3A_419, %swap3A_420], %mul3A_418 {strides = array<i32>} : memref<128x128xf32, #tpu.memory_space<vmem>>, vector<16xf32>,
        %get3A_422 = arith.index_cast %add3A_389 : i32 to index
        %get3A_423 = arith.constant 64 : index
        %get3A_424 = tpu.vector_load %arg15[%get3A_422, %get3A_423] {strides = array<i32>} : memref<128x128xf32, #tpu.memory_space<vmem>>, vector<16xf32>,
        %mul3A_425 = arith.mulf %get3A_424, %gather3A_393 : vector<16xf32>
        %swap3A_426 = arith.index_cast %add3A_389 : i32 to index
        %swap3A_427 = arith.constant 64 : index
        %swap3A_428 = tpu.vector_load %arg15[%swap3A_426, %swap3A_427] {strides = array<i32>} : memref<128x128xf32, #tpu.memory_space<vmem>>, vector<16xf32>,
        tpu.vector_store %arg15[%swap3A_426, %swap3A_427], %mul3A_425 {strides = array<i32>} : memref<128x128xf32, #tpu.memory_space<vmem>>, vector<16xf32>,
        %get3A_429 = arith.index_cast %add3A_389 : i32 to index
        %get3A_430 = arith.constant 80 : index
        %get3A_431 = tpu.vector_load %arg15[%get3A_429, %get3A_430] {strides = array<i32>} : memref<128x128xf32, #tpu.memory_space<vmem>>, vector<16xf32>,
        %mul3A_432 = arith.mulf %get3A_431, %gather3A_393 : vector<16xf32>
        %swap3A_433 = arith.index_cast %add3A_389 : i32 to index
        %swap3A_434 = arith.constant 80 : index
        %swap3A_435 = tpu.vector_load %arg15[%swap3A_433, %swap3A_434] {strides = array<i32>} : memref<128x128xf32, #tpu.memory_space<vmem>>, vector<16xf32>,
        tpu.vector_store %arg15[%swap3A_433, %swap3A_434], %mul3A_432 {strides = array<i32>} : memref<128x128xf32, #tpu.memory_space<vmem>>, vector<16xf32>,
        %get3A_436 = arith.index_cast %add3A_389 : i32 to index
        %get3A_437 = arith.constant 96 : index
        %get3A_438 = tpu.vector_load %arg15[%get3A_436, %get3A_437] {strides = array<i32>} : memref<128x128xf32, #tpu.memory_space<vmem>>, vector<16xf32>,
        %mul3A_439 = arith.mulf %get3A_438, %gather3A_393 : vector<16xf32>
        %swap3A_440 = arith.index_cast %add3A_389 : i32 to index
        %swap3A_441 = arith.constant 96 : index
        %swap3A_442 = tpu.vector_load %arg15[%swap3A_440, %swap3A_441] {strides = array<i32>} : memref<128x128xf32, #tpu.memory_space<vmem>>, vector<16xf32>,
        tpu.vector_store %arg15[%swap3A_440, %swap3A_441], %mul3A_439 {strides = array<i32>} : memref<128x128xf32, #tpu.memory_space<vmem>>, vector<16xf32>,
        %get3A_443 = arith.index_cast %add3A_389 : i32 to index
        %get3A_444 = arith.constant 112 : index
        %get3A_445 = tpu.vector_load %arg15[%get3A_443, %get3A_444] {strides = array<i32>} : memref<128x128xf32, #tpu.memory_space<vmem>>, vector<16xf32>,
        %mul3A_446 = arith.mulf %get3A_445, %gather3A_393 : vector<16xf32>
        %swap3A_447 = arith.index_cast %add3A_389 : i32 to index
        %swap3A_448 = arith.constant 112 : index
        %swap3A_449 = tpu.vector_load %arg15[%swap3A_447, %swap3A_448] {strides = array<i32>} : memref<128x128xf32, #tpu.memory_space<vmem>>, vector<16xf32>,
        tpu.vector_store %arg15[%swap3A_447, %swap3A_448], %mul3A_446 {strides = array<i32>} : memref<128x128xf32, #tpu.memory_space<vmem>>, vector<16xf32>,
        %scan3A_450 = arith.constant 0 : i32
        scf.yield %scan3A_450 : i32
      }
      %scan3A_185 = arith.constant 32 : i32
      %dma_start3A_186 = arith.constant 0 : i32
      %dma_start3A_187 = tpu.memref_slice %arg13[%and3A_153, %dma_start3A_186] : memref<2x128xi32, #tpu.memory_space<vmem>> -> memref<1x128xi32, #tpu.memory_space<vmem>>
      %dma_start3A_188 = tpu.memref_squeeze %dma_start3A_187 : memref<1x128xi32, #tpu.memory_space<vmem>> -> memref<128xi32, #tpu.memory_space<vmem>>
      %dma_start3A_189 = arith.constant 0 : i32
      %dma_start3A_190 = arith.constant 0 : i32
      %dma_start3A_191 = tpu.memref_slice %arg18[%dma_start3A_189, %dma_start3A_190] : memref<10000x128xf32, #tpu.memory_space<vmem_shared>> -> memref<10000x128xf32, #tpu.memory_space<vmem_shared>>
      tpu.enqueue_indirect_dma source(%arg15 : memref<128x128xf32, #tpu.memory_space<vmem>>) target(%dma_start3A_191 : memref<10000x128xf32, #tpu.memory_space<vmem_shared>>) offsets(%dma_start3A_188 : memref<128xi32, #tpu.memory_space<vmem>>) semaphore(%arg21 : memref<!tpu.dma_semaphore, #tpu.memory_space<semaphore_mem>>) {add = true}
      "tpu.region"() ({
        %run_scoped3A_193 = tpu.sem_alloc : memref<!tpu.dma_semaphore, #tpu.memory_space<semaphore_mem>>
        %dma_start3A_194 = arith.constant 0 : i32
        %dma_start3A_195 = tpu.memref_slice %arg9[%add3A_154, %dma_start3A_194] : memref<2592x128xf32, #tpu.memory_space<hbm>> -> memref<1x128xf32, #tpu.memory_space<hbm>>
        %dma_start3A_196 = arith.constant 0 : i32
        %dma_start3A_197 = tpu.memref_slice %arg9[%add3A_154, %dma_start3A_196] : memref<2592x128xf32, #tpu.memory_space<hbm>> -> memref<1x128xf32, #tpu.memory_space<hbm>>
        tpu.enqueue_dma source(%arg14 : memref<1x128xf32, #tpu.memory_space<vmem>>) target(%dma_start3A_197 : memref<1x128xf32, #tpu.memory_space<hbm>>) target_semaphore(%run_scoped3A_193 : memref<!tpu.dma_semaphore, #tpu.memory_space<semaphore_mem>>)
        %dma_wait3A_198 = arith.constant 0 : i32
        %dma_wait3A_199 = tpu.memref_slice %arg9[%add3A_154, %dma_wait3A_198] : memref<2592x128xf32, #tpu.memory_space<hbm>> -> memref<1x128xf32, #tpu.memory_space<hbm>>
        %dma_wait3A_200 = arith.constant 0 : i32
        %dma_wait3A_201 = tpu.memref_slice %arg9[%add3A_154, %dma_wait3A_200] : memref<2592x128xf32, #tpu.memory_space<hbm>> -> memref<1x128xf32, #tpu.memory_space<hbm>>
        tpu.wait_dma2 semaphore(%run_scoped3A_193 : memref<!tpu.dma_semaphore, #tpu.memory_space<semaphore_mem>>) src(%arg14 : memref<1x128xf32, #tpu.memory_space<vmem>>) dst(%dma_wait3A_201 : memref<1x128xf32, #tpu.memory_space<hbm>>)
        tpu.yield
      }) : () -> ()
      %scan3A_192 = arith.constant 0 : i32
      scf.yield %scan3A_192 : i32
    }
    %scan3A_132 = arith.constant 81 : i32
    %dma_wait3A = arith.constant 0 : i32
    %dma_wait3A_133 = arith.constant 0 : i32
    %dma_wait3A_134 = tpu.memref_slice %arg18[%dma_wait3A, %dma_wait3A_133] : memref<10000x128xf32, #tpu.memory_space<vmem_shared>> -> memref<128x128xf32, #tpu.memory_space<vmem_shared>>
    %dma_wait3A_135 = arith.constant 0 : i32
    %dma_wait3A_136 = arith.constant 0 : i32
    %dma_wait3A_137 = tpu.memref_slice %arg18[%dma_wait3A_135, %dma_wait3A_136] : memref<10000x128xf32, #tpu.memory_space<vmem_shared>> -> memref<128x128xf32, #tpu.memory_space<vmem_shared>>
    tpu.wait_dma2 semaphore(%arg21 : memref<!tpu.dma_semaphore, #tpu.memory_space<semaphore_mem>>) src(%arg15 : memref<128x128xf32, #tpu.memory_space<vmem>>) dst(%dma_wait3A_137 : memref<128x128xf32, #tpu.memory_space<vmem_shared>>)
    %barrier3A_138 = arith.constant 0 : index
    tpu.barrier barrier_id(%barrier3A_138)
    %run_scoped3A = arith.constant 0 : i32
    "tpu.region"() ({
      %run_scoped3A_151 = tpu.sem_alloc : memref<!tpu.dma_semaphore, #tpu.memory_space<semaphore_mem>>
      %dma_start3A = arith.constant 0 : i32
      %dma_start3A_152 = arith.constant 0 : i32
      %dma_start3A_153 = tpu.memref_slice %arg16[%dma_start3A, %dma_start3A_152] : memref<640x16xf32, #tpu.memory_space<vmem>> -> memref<128x16xf32, #tpu.memory_space<vmem>>
      %dma_start3A_154 = arith.constant 0 : i32
      %dma_start3A_155 = tpu.memref_slice %arg17[%run_scoped3A, %dma_start3A_154] : memref<5x128xi32, #tpu.memory_space<vmem>> -> memref<1x128xi32, #tpu.memory_space<vmem>>
      %dma_start3A_156 = tpu.memref_squeeze %dma_start3A_155 : memref<1x128xi32, #tpu.memory_space<vmem>> -> memref<128xi32, #tpu.memory_space<vmem>>
      %dma_start3A_157 = arith.constant 0 : i32
      %dma_start3A_158 = arith.constant 0 : i32
      %dma_start3A_159 = tpu.memref_slice %arg19[%dma_start3A_157, %dma_start3A_158] : memref<640x16xf32, #tpu.memory_space<vmem_shared>> -> memref<640x16xf32, #tpu.memory_space<vmem_shared>>
      tpu.enqueue_indirect_dma source(%dma_start3A_153 : memref<128x16xf32, #tpu.memory_space<vmem>>) target(%dma_start3A_159 : memref<640x16xf32, #tpu.memory_space<vmem_shared>>) offsets(%dma_start3A_156 : memref<128xi32, #tpu.memory_space<vmem>>) semaphore(%run_scoped3A_151 : memref<!tpu.dma_semaphore, #tpu.memory_space<semaphore_mem>>) {add = true}
      %dma_wait3A_160 = arith.constant 0 : i32
      %dma_wait3A_161 = arith.constant 0 : i32
      %dma_wait3A_162 = tpu.memref_slice %arg16[%dma_wait3A_160, %dma_wait3A_161] : memref<640x16xf32, #tpu.memory_space<vmem>> -> memref<128x16xf32, #tpu.memory_space<vmem>>
      %dma_wait3A_163 = arith.constant 0 : i32
      %dma_wait3A_164 = tpu.memref_slice %arg17[%run_scoped3A, %dma_wait3A_163] : memref<5x128xi32, #tpu.memory_space<vmem>> -> memref<1x128xi32, #tpu.memory_space<vmem>>
      %dma_wait3A_165 = tpu.memref_squeeze %dma_wait3A_164 : memref<1x128xi32, #tpu.memory_space<vmem>> -> memref<128xi32, #tpu.memory_space<vmem>>
      %dma_wait3A_166 = arith.constant 0 : i32
      %dma_wait3A_167 = arith.constant 0 : i32
      %dma_wait3A_168 = tpu.memref_slice %arg19[%dma_wait3A_166, %dma_wait3A_167] : memref<640x16xf32, #tpu.memory_space<vmem_shared>> -> memref<640x16xf32, #tpu.memory_space<vmem_shared>>
      tpu.wait_indirect_dma semaphore(%run_scoped3A_151 : memref<!tpu.dma_semaphore, #tpu.memory_space<semaphore_mem>>) src(%dma_wait3A_162 : memref<128x16xf32, #tpu.memory_space<vmem>>) dst(%dma_wait3A_168 : memref<640x16xf32, #tpu.memory_space<vmem_shared>>)
      tpu.yield
    }) : () -> ()
    %run_scoped3A_139 = arith.constant 1 : i32
    "tpu.region"() ({
      %run_scoped3A_151 = tpu.sem_alloc : memref<!tpu.dma_semaphore, #tpu.memory_space<semaphore_mem>>
      %dma_start3A = arith.constant 128 : i32
      %dma_start3A_152 = arith.constant 0 : i32
      %dma_start3A_153 = tpu.memref_slice %arg16[%dma_start3A, %dma_start3A_152] : memref<640x16xf32, #tpu.memory_space<vmem>> -> memref<128x16xf32, #tpu.memory_space<vmem>>
      %dma_start3A_154 = arith.constant 0 : i32
      %dma_start3A_155 = tpu.memref_slice %arg17[%run_scoped3A_139, %dma_start3A_154] : memref<5x128xi32, #tpu.memory_space<vmem>> -> memref<1x128xi32, #tpu.memory_space<vmem>>
      %dma_start3A_156 = tpu.memref_squeeze %dma_start3A_155 : memref<1x128xi32, #tpu.memory_space<vmem>> -> memref<128xi32, #tpu.memory_space<vmem>>
      %dma_start3A_157 = arith.constant 0 : i32
      %dma_start3A_158 = arith.constant 0 : i32
      %dma_start3A_159 = tpu.memref_slice %arg19[%dma_start3A_157, %dma_start3A_158] : memref<640x16xf32, #tpu.memory_space<vmem_shared>> -> memref<640x16xf32, #tpu.memory_space<vmem_shared>>
      tpu.enqueue_indirect_dma source(%dma_start3A_153 : memref<128x16xf32, #tpu.memory_space<vmem>>) target(%dma_start3A_159 : memref<640x16xf32, #tpu.memory_space<vmem_shared>>) offsets(%dma_start3A_156 : memref<128xi32, #tpu.memory_space<vmem>>) semaphore(%run_scoped3A_151 : memref<!tpu.dma_semaphore, #tpu.memory_space<semaphore_mem>>) {add = true}
      %dma_wait3A_160 = arith.constant 128 : i32
      %dma_wait3A_161 = arith.constant 0 : i32
      %dma_wait3A_162 = tpu.memref_slice %arg16[%dma_wait3A_160, %dma_wait3A_161] : memref<640x16xf32, #tpu.memory_space<vmem>> -> memref<128x16xf32, #tpu.memory_space<vmem>>
      %dma_wait3A_163 = arith.constant 0 : i32
      %dma_wait3A_164 = tpu.memref_slice %arg17[%run_scoped3A_139, %dma_wait3A_163] : memref<5x128xi32, #tpu.memory_space<vmem>> -> memref<1x128xi32, #tpu.memory_space<vmem>>
      %dma_wait3A_165 = tpu.memref_squeeze %dma_wait3A_164 : memref<1x128xi32, #tpu.memory_space<vmem>> -> memref<128xi32, #tpu.memory_space<vmem>>
      %dma_wait3A_166 = arith.constant 0 : i32
      %dma_wait3A_167 = arith.constant 0 : i32
      %dma_wait3A_168 = tpu.memref_slice %arg19[%dma_wait3A_166, %dma_wait3A_167] : memref<640x16xf32, #tpu.memory_space<vmem_shared>> -> memref<640x16xf32, #tpu.memory_space<vmem_shared>>
      tpu.wait_indirect_dma semaphore(%run_scoped3A_151 : memref<!tpu.dma_semaphore, #tpu.memory_space<semaphore_mem>>) src(%dma_wait3A_162 : memref<128x16xf32, #tpu.memory_space<vmem>>) dst(%dma_wait3A_168 : memref<640x16xf32, #tpu.memory_space<vmem_shared>>)
      tpu.yield
    }) : () -> ()
    %run_scoped3A_140 = arith.constant 2 : i32
    "tpu.region"() ({
      %run_scoped3A_151 = tpu.sem_alloc : memref<!tpu.dma_semaphore, #tpu.memory_space<semaphore_mem>>
      %dma_start3A = arith.constant 256 : i32
      %dma_start3A_152 = arith.constant 0 : i32
      %dma_start3A_153 = tpu.memref_slice %arg16[%dma_start3A, %dma_start3A_152] : memref<640x16xf32, #tpu.memory_space<vmem>> -> memref<128x16xf32, #tpu.memory_space<vmem>>
      %dma_start3A_154 = arith.constant 0 : i32
      %dma_start3A_155 = tpu.memref_slice %arg17[%run_scoped3A_140, %dma_start3A_154] : memref<5x128xi32, #tpu.memory_space<vmem>> -> memref<1x128xi32, #tpu.memory_space<vmem>>
      %dma_start3A_156 = tpu.memref_squeeze %dma_start3A_155 : memref<1x128xi32, #tpu.memory_space<vmem>> -> memref<128xi32, #tpu.memory_space<vmem>>
      %dma_start3A_157 = arith.constant 0 : i32
      %dma_start3A_158 = arith.constant 0 : i32
      %dma_start3A_159 = tpu.memref_slice %arg19[%dma_start3A_157, %dma_start3A_158] : memref<640x16xf32, #tpu.memory_space<vmem_shared>> -> memref<640x16xf32, #tpu.memory_space<vmem_shared>>
      tpu.enqueue_indirect_dma source(%dma_start3A_153 : memref<128x16xf32, #tpu.memory_space<vmem>>) target(%dma_start3A_159 : memref<640x16xf32, #tpu.memory_space<vmem_shared>>) offsets(%dma_start3A_156 : memref<128xi32, #tpu.memory_space<vmem>>) semaphore(%run_scoped3A_151 : memref<!tpu.dma_semaphore, #tpu.memory_space<semaphore_mem>>) {add = true}
      %dma_wait3A_160 = arith.constant 256 : i32
      %dma_wait3A_161 = arith.constant 0 : i32
      %dma_wait3A_162 = tpu.memref_slice %arg16[%dma_wait3A_160, %dma_wait3A_161] : memref<640x16xf32, #tpu.memory_space<vmem>> -> memref<128x16xf32, #tpu.memory_space<vmem>>
      %dma_wait3A_163 = arith.constant 0 : i32
      %dma_wait3A_164 = tpu.memref_slice %arg17[%run_scoped3A_140, %dma_wait3A_163] : memref<5x128xi32, #tpu.memory_space<vmem>> -> memref<1x128xi32, #tpu.memory_space<vmem>>
      %dma_wait3A_165 = tpu.memref_squeeze %dma_wait3A_164 : memref<1x128xi32, #tpu.memory_space<vmem>> -> memref<128xi32, #tpu.memory_space<vmem>>
      %dma_wait3A_166 = arith.constant 0 : i32
      %dma_wait3A_167 = arith.constant 0 : i32
      %dma_wait3A_168 = tpu.memref_slice %arg19[%dma_wait3A_166, %dma_wait3A_167] : memref<640x16xf32, #tpu.memory_space<vmem_shared>> -> memref<640x16xf32, #tpu.memory_space<vmem_shared>>
      tpu.wait_indirect_dma semaphore(%run_scoped3A_151 : memref<!tpu.dma_semaphore, #tpu.memory_space<semaphore_mem>>) src(%dma_wait3A_162 : memref<128x16xf32, #tpu.memory_space<vmem>>) dst(%dma_wait3A_168 : memref<640x16xf32, #tpu.memory_space<vmem_shared>>)
      tpu.yield
    }) : () -> ()
    %run_scoped3A_141 = arith.constant 3 : i32
    "tpu.region"() ({
      %run_scoped3A_151 = tpu.sem_alloc : memref<!tpu.dma_semaphore, #tpu.memory_space<semaphore_mem>>
      %dma_start3A = arith.constant 384 : i32
      %dma_start3A_152 = arith.constant 0 : i32
      %dma_start3A_153 = tpu.memref_slice %arg16[%dma_start3A, %dma_start3A_152] : memref<640x16xf32, #tpu.memory_space<vmem>> -> memref<128x16xf32, #tpu.memory_space<vmem>>
      %dma_start3A_154 = arith.constant 0 : i32
      %dma_start3A_155 = tpu.memref_slice %arg17[%run_scoped3A_141, %dma_start3A_154] : memref<5x128xi32, #tpu.memory_space<vmem>> -> memref<1x128xi32, #tpu.memory_space<vmem>>
      %dma_start3A_156 = tpu.memref_squeeze %dma_start3A_155 : memref<1x128xi32, #tpu.memory_space<vmem>> -> memref<128xi32, #tpu.memory_space<vmem>>
      %dma_start3A_157 = arith.constant 0 : i32
      %dma_start3A_158 = arith.constant 0 : i32
      %dma_start3A_159 = tpu.memref_slice %arg19[%dma_start3A_157, %dma_start3A_158] : memref<640x16xf32, #tpu.memory_space<vmem_shared>> -> memref<640x16xf32, #tpu.memory_space<vmem_shared>>
      tpu.enqueue_indirect_dma source(%dma_start3A_153 : memref<128x16xf32, #tpu.memory_space<vmem>>) target(%dma_start3A_159 : memref<640x16xf32, #tpu.memory_space<vmem_shared>>) offsets(%dma_start3A_156 : memref<128xi32, #tpu.memory_space<vmem>>) semaphore(%run_scoped3A_151 : memref<!tpu.dma_semaphore, #tpu.memory_space<semaphore_mem>>) {add = true}
      %dma_wait3A_160 = arith.constant 384 : i32
      %dma_wait3A_161 = arith.constant 0 : i32
      %dma_wait3A_162 = tpu.memref_slice %arg16[%dma_wait3A_160, %dma_wait3A_161] : memref<640x16xf32, #tpu.memory_space<vmem>> -> memref<128x16xf32, #tpu.memory_space<vmem>>
      %dma_wait3A_163 = arith.constant 0 : i32
      %dma_wait3A_164 = tpu.memref_slice %arg17[%run_scoped3A_141, %dma_wait3A_163] : memref<5x128xi32, #tpu.memory_space<vmem>> -> memref<1x128xi32, #tpu.memory_space<vmem>>
      %dma_wait3A_165 = tpu.memref_squeeze %dma_wait3A_164 : memref<1x128xi32, #tpu.memory_space<vmem>> -> memref<128xi32, #tpu.memory_space<vmem>>
      %dma_wait3A_166 = arith.constant 0 : i32
      %dma_wait3A_167 = arith.constant 0 : i32
      %dma_wait3A_168 = tpu.memref_slice %arg19[%dma_wait3A_166, %dma_wait3A_167] : memref<640x16xf32, #tpu.memory_space<vmem_shared>> -> memref<640x16xf32, #tpu.memory_space<vmem_shared>>
      tpu.wait_indirect_dma semaphore(%run_scoped3A_151 : memref<!tpu.dma_semaphore, #tpu.memory_space<semaphore_mem>>) src(%dma_wait3A_162 : memref<128x16xf32, #tpu.memory_space<vmem>>) dst(%dma_wait3A_168 : memref<640x16xf32, #tpu.memory_space<vmem_shared>>)
      tpu.yield
    }) : () -> ()
    %run_scoped3A_142 = arith.constant 4 : i32
    "tpu.region"() ({
      %run_scoped3A_151 = tpu.sem_alloc : memref<!tpu.dma_semaphore, #tpu.memory_space<semaphore_mem>>
      %dma_start3A = arith.constant 512 : i32
      %dma_start3A_152 = arith.constant 0 : i32
      %dma_start3A_153 = tpu.memref_slice %arg16[%dma_start3A, %dma_start3A_152] : memref<640x16xf32, #tpu.memory_space<vmem>> -> memref<128x16xf32, #tpu.memory_space<vmem>>
      %dma_start3A_154 = arith.constant 0 : i32
      %dma_start3A_155 = tpu.memref_slice %arg17[%run_scoped3A_142, %dma_start3A_154] : memref<5x128xi32, #tpu.memory_space<vmem>> -> memref<1x128xi32, #tpu.memory_space<vmem>>
      %dma_start3A_156 = tpu.memref_squeeze %dma_start3A_155 : memref<1x128xi32, #tpu.memory_space<vmem>> -> memref<128xi32, #tpu.memory_space<vmem>>
      %dma_start3A_157 = arith.constant 0 : i32
      %dma_start3A_158 = arith.constant 0 : i32
      %dma_start3A_159 = tpu.memref_slice %arg19[%dma_start3A_157, %dma_start3A_158] : memref<640x16xf32, #tpu.memory_space<vmem_shared>> -> memref<640x16xf32, #tpu.memory_space<vmem_shared>>
      tpu.enqueue_indirect_dma source(%dma_start3A_153 : memref<128x16xf32, #tpu.memory_space<vmem>>) target(%dma_start3A_159 : memref<640x16xf32, #tpu.memory_space<vmem_shared>>) offsets(%dma_start3A_156 : memref<128xi32, #tpu.memory_space<vmem>>) semaphore(%run_scoped3A_151 : memref<!tpu.dma_semaphore, #tpu.memory_space<semaphore_mem>>) {add = true}
      %dma_wait3A_160 = arith.constant 512 : i32
      %dma_wait3A_161 = arith.constant 0 : i32
      %dma_wait3A_162 = tpu.memref_slice %arg16[%dma_wait3A_160, %dma_wait3A_161] : memref<640x16xf32, #tpu.memory_space<vmem>> -> memref<128x16xf32, #tpu.memory_space<vmem>>
      %dma_wait3A_163 = arith.constant 0 : i32
      %dma_wait3A_164 = tpu.memref_slice %arg17[%run_scoped3A_142, %dma_wait3A_163] : memref<5x128xi32, #tpu.memory_space<vmem>> -> memref<1x128xi32, #tpu.memory_space<vmem>>
      %dma_wait3A_165 = tpu.memref_squeeze %dma_wait3A_164 : memref<1x128xi32, #tpu.memory_space<vmem>> -> memref<128xi32, #tpu.memory_space<vmem>>
      %dma_wait3A_166 = arith.constant 0 : i32
      %dma_wait3A_167 = arith.constant 0 : i32
      %dma_wait3A_168 = tpu.memref_slice %arg19[%dma_wait3A_166, %dma_wait3A_167] : memref<640x16xf32, #tpu.memory_space<vmem_shared>> -> memref<640x16xf32, #tpu.memory_space<vmem_shared>>
      tpu.wait_indirect_dma semaphore(%run_scoped3A_151 : memref<!tpu.dma_semaphore, #tpu.memory_space<semaphore_mem>>) src(%dma_wait3A_162 : memref<128x16xf32, #tpu.memory_space<vmem>>) dst(%dma_wait3A_168 : memref<640x16xf32, #tpu.memory_space<vmem_shared>>)
      tpu.yield
    }) : () -> ()
    %barrier3A_143 = arith.constant 0 : index
    tpu.barrier barrier_id(%barrier3A_143)
    %mul3A_144 = arith.constant 624 : i32
    %mul3A_145 = arith.muli %arg1, %mul3A_144 : i32
    "tpu.region"() ({
      %run_scoped3A_151 = tpu.sem_alloc : memref<!tpu.dma_semaphore, #tpu.memory_space<semaphore_mem>>
      %dma_start3A = arith.constant 0 : i32
      %dma_start3A_152 = tpu.memref_slice %arg7[%arg0, %mul3A_145, %dma_start3A] : memref<2x10000x128xf32, #tpu.memory_space<hbm>> -> memref<1x624x128xf32, #tpu.memory_space<hbm>>
      %dma_start3A_153 = tpu.memref_squeeze %dma_start3A_152 : memref<1x624x128xf32, #tpu.memory_space<hbm>> -> memref<624x128xf32, #tpu.memory_space<hbm>>
      %dma_start3A_154 = arith.constant 0 : i32
      %dma_start3A_155 = tpu.memref_slice %arg18[%mul3A_145, %dma_start3A_154] : memref<10000x128xf32, #tpu.memory_space<vmem_shared>> -> memref<624x128xf32, #tpu.memory_space<vmem_shared>>
      tpu.enqueue_dma source(%dma_start3A_155 : memref<624x128xf32, #tpu.memory_space<vmem_shared>>) target(%dma_start3A_153 : memref<624x128xf32, #tpu.memory_space<hbm>>) target_semaphore(%run_scoped3A_151 : memref<!tpu.dma_semaphore, #tpu.memory_space<semaphore_mem>>)
      %dma_wait3A_156 = arith.constant 0 : i32
      %dma_wait3A_157 = tpu.memref_slice %arg7[%arg0, %mul3A_145, %dma_wait3A_156] : memref<2x10000x128xf32, #tpu.memory_space<hbm>> -> memref<1x624x128xf32, #tpu.memory_space<hbm>>
      %dma_wait3A_158 = tpu.memref_squeeze %dma_wait3A_157 : memref<1x624x128xf32, #tpu.memory_space<hbm>> -> memref<624x128xf32, #tpu.memory_space<hbm>>
      %dma_wait3A_159 = arith.constant 0 : i32
      %dma_wait3A_160 = tpu.memref_slice %arg18[%mul3A_145, %dma_wait3A_159] : memref<10000x128xf32, #tpu.memory_space<vmem_shared>> -> memref<624x128xf32, #tpu.memory_space<vmem_shared>>
      tpu.wait_dma2 semaphore(%run_scoped3A_151 : memref<!tpu.dma_semaphore, #tpu.memory_space<semaphore_mem>>) src(%dma_wait3A_160 : memref<624x128xf32, #tpu.memory_space<vmem_shared>>) dst(%dma_wait3A_158 : memref<624x128xf32, #tpu.memory_space<hbm>>)
      tpu.yield
    }) : () -> ()
    %eq3A_146 = arith.constant 0 : i32
    %eq3A_147 = arith.cmpi eq, %arg1, %eq3A_146 : i32
    %convert_element_type3A_148 = arith.extui %eq3A_147 : i1 to i32
    %cond3A_149 = arith.constant 0 : i32
    %cond3A_150 = arith.cmpi ne, %convert_element_type3A_148, %cond3A_149 : i32
    scf.if %cond3A_150 {
      "tpu.region"() ({
        %run_scoped3A_151 = tpu.sem_alloc : memref<!tpu.dma_semaphore, #tpu.memory_space<semaphore_mem>>
        %dma_start3A = arith.constant 9984 : i32
        %dma_start3A_152 = arith.constant 0 : i32
        %dma_start3A_153 = tpu.memref_slice %arg7[%arg0, %dma_start3A, %dma_start3A_152] : memref<2x10000x128xf32, #tpu.memory_space<hbm>> -> memref<1x16x128xf32, #tpu.memory_space<hbm>>
        %dma_start3A_154 = tpu.memref_squeeze %dma_start3A_153 : memref<1x16x128xf32, #tpu.memory_space<hbm>> -> memref<16x128xf32, #tpu.memory_space<hbm>>
        %dma_start3A_155 = arith.constant 9984 : i32
        %dma_start3A_156 = arith.constant 0 : i32
        %dma_start3A_157 = tpu.memref_slice %arg18[%dma_start3A_155, %dma_start3A_156] : memref<10000x128xf32, #tpu.memory_space<vmem_shared>> -> memref<16x128xf32, #tpu.memory_space<vmem_shared>>
        tpu.enqueue_dma source(%dma_start3A_157 : memref<16x128xf32, #tpu.memory_space<vmem_shared>>) target(%dma_start3A_154 : memref<16x128xf32, #tpu.memory_space<hbm>>) target_semaphore(%run_scoped3A_151 : memref<!tpu.dma_semaphore, #tpu.memory_space<semaphore_mem>>)
        %dma_wait3A_158 = arith.constant 9984 : i32
        %dma_wait3A_159 = arith.constant 0 : i32
        %dma_wait3A_160 = tpu.memref_slice %arg7[%arg0, %dma_wait3A_158, %dma_wait3A_159] : memref<2x10000x128xf32, #tpu.memory_space<hbm>> -> memref<1x16x128xf32, #tpu.memory_space<hbm>>
        %dma_wait3A_161 = tpu.memref_squeeze %dma_wait3A_160 : memref<1x16x128xf32, #tpu.memory_space<hbm>> -> memref<16x128xf32, #tpu.memory_space<hbm>>
        %dma_wait3A_162 = arith.constant 9984 : i32
        %dma_wait3A_163 = arith.constant 0 : i32
        %dma_wait3A_164 = tpu.memref_slice %arg18[%dma_wait3A_162, %dma_wait3A_163] : memref<10000x128xf32, #tpu.memory_space<vmem_shared>> -> memref<16x128xf32, #tpu.memory_space<vmem_shared>>
        tpu.wait_dma2 semaphore(%run_scoped3A_151 : memref<!tpu.dma_semaphore, #tpu.memory_space<semaphore_mem>>) src(%dma_wait3A_164 : memref<16x128xf32, #tpu.memory_space<vmem_shared>>) dst(%dma_wait3A_161 : memref<16x128xf32, #tpu.memory_space<hbm>>)
        tpu.yield
      }) : () -> ()
      "tpu.region"() ({
        %run_scoped3A_151 = tpu.sem_alloc : memref<!tpu.dma_semaphore, #tpu.memory_space<semaphore_mem>>
        %dma_start3A = arith.constant 0 : i32
        %dma_start3A_152 = arith.constant 0 : i32
        %dma_start3A_153 = tpu.memref_slice %arg8[%arg0, %dma_start3A, %dma_start3A_152] : memref<2x625x16xf32, #tpu.memory_space<hbm>> -> memref<1x625x16xf32, #tpu.memory_space<hbm>>
        %dma_start3A_154 = tpu.memref_squeeze %dma_start3A_153 : memref<1x625x16xf32, #tpu.memory_space<hbm>> -> memref<625x16xf32, #tpu.memory_space<hbm>>
        %dma_start3A_155 = arith.constant 0 : i32
        %dma_start3A_156 = arith.constant 0 : i32
        %dma_start3A_157 = tpu.memref_slice %arg19[%dma_start3A_155, %dma_start3A_156] : memref<640x16xf32, #tpu.memory_space<vmem_shared>> -> memref<625x16xf32, #tpu.memory_space<vmem_shared>>
        tpu.enqueue_dma source(%dma_start3A_157 : memref<625x16xf32, #tpu.memory_space<vmem_shared>>) target(%dma_start3A_154 : memref<625x16xf32, #tpu.memory_space<hbm>>) target_semaphore(%run_scoped3A_151 : memref<!tpu.dma_semaphore, #tpu.memory_space<semaphore_mem>>)
        %dma_wait3A_158 = arith.constant 0 : i32
        %dma_wait3A_159 = arith.constant 0 : i32
        %dma_wait3A_160 = tpu.memref_slice %arg8[%arg0, %dma_wait3A_158, %dma_wait3A_159] : memref<2x625x16xf32, #tpu.memory_space<hbm>> -> memref<1x625x16xf32, #tpu.memory_space<hbm>>
        %dma_wait3A_161 = tpu.memref_squeeze %dma_wait3A_160 : memref<1x625x16xf32, #tpu.memory_space<hbm>> -> memref<625x16xf32, #tpu.memory_space<hbm>>
        %dma_wait3A_162 = arith.constant 0 : i32
        %dma_wait3A_163 = arith.constant 0 : i32
        %dma_wait3A_164 = tpu.memref_slice %arg19[%dma_wait3A_162, %dma_wait3A_163] : memref<640x16xf32, #tpu.memory_space<vmem_shared>> -> memref<625x16xf32, #tpu.memory_space<vmem_shared>>
        tpu.wait_dma2 semaphore(%run_scoped3A_151 : memref<!tpu.dma_semaphore, #tpu.memory_space<semaphore_mem>>) src(%dma_wait3A_164 : memref<625x16xf32, #tpu.memory_space<vmem_shared>>) dst(%dma_wait3A_161 : memref<625x16xf32, #tpu.memory_space<hbm>>)
        tpu.yield
      }) : () -> ()
    } else {
    }
    return
  }
}

module attributes {stable_mosaic.version = 14 : i64} {
  func.func @_enc_body(%arg0: memref<10000x128xf32, #tpu.memory_space<vmem>>, %arg1: memref<128x128xf32, #tpu.memory_space<vmem>>, %arg2: memref<128xf32, #tpu.memory_space<vmem>>, %arg3: memref<128xf32, #tpu.memory_space<vmem>>, %arg4: memref<10000x128xf32, #tpu.memory_space<vmem>>, %arg5: memref<10000xf32, #tpu.memory_space<vmem>>, %arg6: memref<10000xf32, #tpu.memory_space<vmem>>) attributes {dimension_semantics = [], scalar_prefetch = 0 : i64, scratch_operands = 0 : i64, tpu.core_type = #tpu.core_type<tc>} {
    %get3A = arith.constant 0 : index
    %get3A_0 = arith.constant 0 : index
    %get3A_1 = vector.load %arg0[%get3A, %get3A_0] : memref<10000x128xf32, #tpu.memory_space<vmem>>, vector<10000x128xf32>
    %get3A_2 = arith.constant 0 : index
    %get3A_3 = arith.constant 0 : index
    %get3A_4 = vector.load %arg1[%get3A_2, %get3A_3] : memref<128x128xf32, #tpu.memory_space<vmem>>, vector<128x128xf32>
    %dot_general3A = arith.constant dense<0.000000e+00> : vector<10000x128xf32>
    %dot_general3A_5 = tpu.matmul %get3A_1, %get3A_4, %dot_general3A {dimension_numbers = #tpu.dot_dimension_numbers<[1], [0], [0], [1], [0, 0, 1, 1], [], []>, transpose_lhs_hint = false} : vector<10000x128xf32>, vector<128x128xf32>, vector<10000x128xf32> -> vector<10000x128xf32>
    %swap3A = arith.constant 0 : index
    %swap3A_6 = arith.constant 0 : index
    %swap3A_7 = vector.load %arg4[%swap3A, %swap3A_6] : memref<10000x128xf32, #tpu.memory_space<vmem>>, vector<10000x128xf32>
    tpu.vector_store %arg4[%swap3A, %swap3A_6], %dot_general3A_5 {strides = array<i32>} : memref<10000x128xf32, #tpu.memory_space<vmem>>, vector<10000x128xf32>,
    %get3A_8 = arith.constant 0 : index
    %get3A_9 = vector.load %arg2[%get3A_8] : memref<128xf32, #tpu.memory_space<vmem>>, vector<128xf32>
    %broadcast_in_dim3A = vector.shape_cast %get3A_9 : vector<128xf32> to vector<1x128xf32>
    %mul3A = vector.broadcast %broadcast_in_dim3A : vector<1x128xf32> to vector<10000x128xf32>
    %mul3A_10 = arith.mulf %dot_general3A_5, %mul3A : vector<10000x128xf32>
    %reduce_sum3A = arith.constant dense<0.000000e+00> : vector<10000xf32>
    %reduce_sum3A_11 = vector.multi_reduction <add>, %mul3A_10, %reduce_sum3A [1] : vector<10000x128xf32> to vector<10000xf32>
    %swap3A_12 = arith.constant 0 : index
    %swap3A_13 = vector.load %arg5[%swap3A_12] : memref<10000xf32, #tpu.memory_space<vmem>>, vector<10000xf32>
    tpu.vector_store %arg5[%swap3A_12], %reduce_sum3A_11 {strides = array<i32>} : memref<10000xf32, #tpu.memory_space<vmem>>, vector<10000xf32>,
    %get3A_14 = arith.constant 0 : index
    %get3A_15 = vector.load %arg3[%get3A_14] : memref<128xf32, #tpu.memory_space<vmem>>, vector<128xf32>
    %broadcast_in_dim3A_16 = vector.shape_cast %get3A_15 : vector<128xf32> to vector<1x128xf32>
    %mul3A_17 = vector.broadcast %broadcast_in_dim3A_16 : vector<1x128xf32> to vector<10000x128xf32>
    %mul3A_18 = arith.mulf %dot_general3A_5, %mul3A_17 : vector<10000x128xf32>
    %reduce_sum3A_19 = arith.constant dense<0.000000e+00> : vector<10000xf32>
    %reduce_sum3A_20 = vector.multi_reduction <add>, %mul3A_18, %reduce_sum3A_19 [1] : vector<10000x128xf32> to vector<10000xf32>
    %swap3A_21 = arith.constant 0 : index
    %swap3A_22 = vector.load %arg6[%swap3A_21] : memref<10000xf32, #tpu.memory_space<vmem>>, vector<10000xf32>
    tpu.vector_store %arg6[%swap3A_21], %reduce_sum3A_20 {strides = array<i32>} : memref<10000xf32, #tpu.memory_space<vmem>>, vector<10000xf32>,
    return
  }
}

module attributes {stable_mosaic.version = 14 : i64} {
  func.func @_fin_body(%arg0: memref<2x10000x128xf32, #tpu.memory_space<vmem>>, %arg1: memref<2x10000xf32, #tpu.memory_space<vmem>>, %arg2: memref<128xf32, #tpu.memory_space<vmem>>, %arg3: memref<10000x128xf32, #tpu.memory_space<vmem>>) attributes {dimension_semantics = [], scalar_prefetch = 0 : i64, scratch_operands = 0 : i64, tpu.core_type = #tpu.core_type<tc>} {
    %get3A = arith.constant 0 : index
    %get3A_0 = arith.constant 0 : index
    %get3A_1 = arith.constant 0 : index
    %get3A_2 = vector.load %arg0[%get3A, %get3A_0, %get3A_1] : memref<2x10000x128xf32, #tpu.memory_space<vmem>>, vector<1x10000x128xf32>
    %get3A_3 = vector.shape_cast %get3A_2 : vector<1x10000x128xf32> to vector<10000x128xf32>
    %get3A_4 = arith.constant 1 : index
    %get3A_5 = arith.constant 0 : index
    %get3A_6 = arith.constant 0 : index
    %get3A_7 = vector.load %arg0[%get3A_4, %get3A_5, %get3A_6] : memref<2x10000x128xf32, #tpu.memory_space<vmem>>, vector<1x10000x128xf32>
    %get3A_8 = vector.shape_cast %get3A_7 : vector<1x10000x128xf32> to vector<10000x128xf32>
    %add3A = arith.addf %get3A_3, %get3A_8 : vector<10000x128xf32>
    %get3A_9 = arith.constant 0 : index
    %get3A_10 = arith.constant 0 : index
    %get3A_11 = vector.load %arg1[%get3A_9, %get3A_10] : memref<2x10000xf32, #tpu.memory_space<vmem>>, vector<1x10000xf32>
    %get3A_12 = vector.shape_cast %get3A_11 : vector<1x10000xf32> to vector<10000xf32>
    %get3A_13 = arith.constant 1 : index
    %get3A_14 = arith.constant 0 : index
    %get3A_15 = vector.load %arg1[%get3A_13, %get3A_14] : memref<2x10000xf32, #tpu.memory_space<vmem>>, vector<1x10000xf32>
    %get3A_16 = vector.shape_cast %get3A_15 : vector<1x10000xf32> to vector<10000xf32>
    %add3A_17 = arith.addf %get3A_12, %get3A_16 : vector<10000xf32>
    %add3A_18 = arith.constant 1.000000e-16 : f32
    %add3A_19 = vector.broadcast %add3A_18 : f32 to vector<10000xf32>
    %add3A_20 = arith.addf %add3A_17, %add3A_19 : vector<10000xf32>
    %div3A = arith.constant 1.000000e+00 : f32
    %div3A_21 = vector.broadcast %div3A : f32 to vector<10000xf32>
    %div3A_22 = arith.divf %div3A_21, %add3A_20 : vector<10000xf32>
    %broadcast_in_dim3A = vector.shape_cast %div3A_22 : vector<10000xf32> to vector<10000x1xf32>
    %mul3A = vector.broadcast %broadcast_in_dim3A : vector<10000x1xf32> to vector<10000x128xf32>
    %mul3A_23 = arith.mulf %add3A, %mul3A : vector<10000x128xf32>
    %get3A_24 = arith.constant 0 : index
    %get3A_25 = vector.load %arg2[%get3A_24] : memref<128xf32, #tpu.memory_space<vmem>>, vector<128xf32>
    %broadcast_in_dim3A_26 = vector.shape_cast %get3A_25 : vector<128xf32> to vector<1x128xf32>
    %add3A_27 = vector.broadcast %broadcast_in_dim3A_26 : vector<1x128xf32> to vector<10000x128xf32>
    %add3A_28 = arith.addf %mul3A_23, %add3A_27 : vector<10000x128xf32>
    %gt3A = arith.constant 0.000000e+00 : f32
    %gt3A_29 = vector.broadcast %gt3A : f32 to vector<10000x128xf32>
    %gt3A_30 = arith.cmpf ogt, %add3A_28, %gt3A_29 : vector<10000x128xf32>
    %min3A = arith.constant 0.000000e+00 : f32
    %min3A_31 = vector.broadcast %min3A : f32 to vector<10000x128xf32>
    %min3A_32 = arith.minimumf %add3A_28, %min3A_31 : vector<10000x128xf32>
    %exp3A = math.exp %min3A_32 : vector<10000x128xf32>
    %sub3A = arith.constant 1.000000e+00 : f32
    %sub3A_33 = vector.broadcast %sub3A : f32 to vector<10000x128xf32>
    %sub3A_34 = arith.subf %exp3A, %sub3A_33 : vector<10000x128xf32>
    %select_n3A = arith.select %gt3A_30, %add3A_28, %sub3A_34 : vector<10000x128xi1>, vector<10000x128xf32>
    %swap3A = arith.constant 0 : index
    %swap3A_35 = arith.constant 0 : index
    %swap3A_36 = vector.load %arg3[%swap3A, %swap3A_35] : memref<10000x128xf32, #tpu.memory_space<vmem>>, vector<10000x128xf32>
    tpu.vector_store %arg3[%swap3A, %swap3A_35], %select_n3A {strides = array<i32>} : memref<10000x128xf32, #tpu.memory_space<vmem>>, vector<10000x128xf32>,
    return
  }
}

</mosaic_0001>

<sc_bundles>
// kernel: kernel.6.cloned.1.call-start
scs
__scs_entry_jumppad:
0x0: {  	(pc) =	sbr.rel $0x88, $3  }
0x1: {  	(tag) =	ssettag $0x0;
	lr =	simm.s32 $0x1  }
0x2: {  	[smem:$0x3F9B] =	sst lr;
	_ =	strace $0xD0000000  }
0x3: {  	_ = 	snop  }
0x4: {  	_ = 	snop  }
0x5: {  	_ = 	snop  }
0x6: {  	_ = 	snop  }
0x7: {  	_ = 	snop  }
__scs_overlays_trampoline_lowered:
0x8: {  	[smem:$0x3FAA] =	sst s0  }
0x9: {  	[smem:$0x3FAB] =	sst s1  }
0xa: {  	[smem:$0x3FAC] =	sst s2  }
0xb: {  	[smem:$0x3FAD] =	sst s3  }
0xc: {  	[smem:$0x3FAE] =	sst s4  }
0xd: {  	[smem:$0x3FAF] =	sst s5  }
0xe: {  	[smem:$0x3FB0] =	sst s6  }
0xf: {  	[smem:$0x3FB1] =	sst s7  }
0x10: {  	[smem:$0x3FB2] =	sst s8  }
0x11: {  	[smem:$0x3FB3] =	sst s9;
	s0 =	simm.s32 @!p0 $0x0  }
0x12: {  	s1 =	sld [smem:$0x3F99];
	s0 =	simm.s32 @p0 $0x1  }
0x13: {  	[smem:$0x3FB4] =	sst s0;
	s0 =	simm.s32 @!p1 $0x0  }
0x14: {  	s2 =	sld [smem:$0x3F98];
	s0 =	simm.s32 @p1 $0x1  }
0x15: {  	[smem:$0x3FB5] =	sst s0;
	s0 =	simm.s32 @!p2 $0x0  }
0x16: {  	s3 =	sld [smem:$0x3FDB];
	s0 =	simm.s32 @p2 $0x1  }
0x17: {  	s4 =	simm.s32 $0x1BF5;
	[smem:$0x3FB7] =	sst s0  }
0x18: {  	s0 =	sld [smem:$0x3F9A];
	_ =	swait.ge [sflag:s4], $0x0  }
0x19: {  	s7 =	sld [smem:$0x3F9B]  }
0x1a: {  	s8 =	sadd.s32 $0xFFFFE003, lr  }
0x1b: {  	s9 =	sadd.s32 $0xFFFFFEF7, lr;
	s5 =	simm.s32 $0xFFFFFFFF;
	p2 =	slt.u32 s8, $0xFFFFF086  }
0x1c: {  	p1 =	slt.u32 s9, $0xF7A;
	s5 =	simm.s32 @!p2 $0x0  }
0x1d: {  	s5 =	simm.s32 @p1 $0x1;
	p0 =	seq.s32 s7, s2  }
0x1e: {  	s7 =	smul.u32 @!p0 $0xF7A, s2;
	p2 =	seq.s32 @!p0 s5, $0x0  }
0x1f: {  	s9 =	smul.u32 $0xF7A, s1;
	s8 =	simm.s32 @!p0 $0x1BF5;
	p2 =	por !p2, p0  }
0x20: {  	[sflag:s8] =	ssyncset.s32 @!p0 $0xFFFFF086;
	s6 =	sadd.s32 @!p0 s3, s7;
	s7 =	simm.s32 @!p0 $0x108  }
0x21: {  	s3 =	sadd.s32 s3, s9;
	s6 =	sadd.s32 @!p0 $0x88, s6;
	s7 =	simm.s32 @p2 $0x1082  }
0x22: {  	[simem:s7], [sflag:s8] =	dma.local @!p0 [hbm:s6], $0xF7A  }
0x23: {  	s9 =	sor.u32 $0xD0000000, s2;
	s6 =	simm.s32 $0x108;
	_ =	swait.ge @!p0 [sflag:s8], $0x0  }
0x24: {  	s3 =	sadd.s32 $0x88, s3;
	s6 =	simm.s32 @!p1 $0x1082;
	[sflag:s4] =	ssyncset.s32 $0xFFFFF086  }
0x25: {  	[simem:s6], [sflag:s4] =	dma.local [hbm:s3], $0xF7A  }
0x26: {  	[smem:$0x3F9B] =	sst s1;
	(tag) =	ssettag s2;
	_ =	strace s9  }
0x27: {  	s1 =	sld [smem:$0x3FAB]  }
0x28: {  	s2 =	sld [smem:$0x3FAC]  }
0x29: {  	s4 =	sld [smem:$0x3FAE]  }
0x2a: {  	p0 =	seq.s32 s5, $0x0;
	s5 =	sld [smem:$0x3FAF]  }
0x2b: {  	s6 =	sld [smem:$0x3FB0]  }
0x2c: {  	s7 =	sld [smem:$0x3FB1]  }
0x2d: {  	s3 =	simm.s32 $0x108;
	s8 =	sld [smem:$0x3FB2]  }
0x2e: {  	s3 =	simm.s32 @!p0 $0x1082;
	s9 =	sld [smem:$0x3FB3]  }
0x2f: {  	lr =	sadd.s32 s0, s3;
	s0 =	sld [smem:$0x3FAA]  }
0x30: {  	s3 =	sld [smem:$0x3FAD]  }
0x31: {  	[smem:$0x3FB6] =	sst s10  }
0x32: {  	s10 =	sld [smem:$0x3FB4];
	_ =	sdelay $0x3  }
0x33: {  	p0 =	seq.s32 s10, $0x1;
	s10 =	sld [smem:$0x3FB6];
	_ =	sdelay $0x3  }
0x34: {  	[smem:$0x3FB6] =	sst s10  }
0x35: {  	s10 =	sld [smem:$0x3FB5];
	_ =	sdelay $0x3  }
0x36: {  	p1 =	seq.s32 s10, $0x1;
	s10 =	sld [smem:$0x3FB6];
	_ =	sdelay $0x3  }
0x37: {  	[smem:$0x3FB6] =	sst s10  }
0x38: {  	s10 =	sld [smem:$0x3FB7]  }
0x39: {  	_ = 	snop;
	(pc) =	sbr.ind lr, $3  }
0x3a: {  	_ = 	snop  }
0x3b: {  	_ = 	snop  }
0x3c: {  	p2 =	seq.s32 s10, $0x1;
	s10 =	sld [smem:$0x3FB6]  }
0x3d: {  	_ =	shalt  }
0x3e: {  	_ =	shalt  }
0x3f: {  	_ =	shalt  }
0x40: {  	_ =	shalt  }
0x41: {  	_ =	shalt  }
0x42: {  	_ =	shalt  }
0x43: {  	_ =	shalt  }
0x44: {  	_ =	shalt  }
0x45: {  	_ =	shalt  }
0x46: {  	_ =	shalt  }
0x47: {  	_ =	shalt  }
0x48: {  	_ =	shalt  }
0x49: {  	_ =	shalt  }
0x4a: {  	_ =	shalt  }
0x4b: {  	_ =	shalt  }
0x4c: {  	_ =	shalt  }
0x4d: {  	_ =	shalt  }
0x4e: {  	_ =	shalt  }
0x4f: {  	_ =	shalt  }
0x50: {  	_ =	shalt  }
0x51: {  	_ =	shalt  }
0x52: {  	_ =	shalt  }
0x53: {  	_ =	shalt  }
0x54: {  	_ =	shalt  }
0x55: {  	_ =	shalt  }
0x56: {  	_ =	shalt  }
0x57: {  	_ =	shalt  }
0x58: {  	_ =	shalt  }
0x59: {  	_ =	shalt  }
0x5a: {  	_ =	shalt  }
0x5b: {  	_ =	shalt  }
0x5c: {  	_ =	shalt  }
0x5d: {  	_ =	shalt  }
0x5e: {  	_ =	shalt  }
0x5f: {  	_ =	shalt  }
0x60: {  	_ =	shalt  }
0x61: {  	_ =	shalt  }
0x62: {  	_ =	shalt  }
0x63: {  	_ =	shalt  }
0x64: {  	_ =	shalt  }
0x65: {  	_ =	shalt  }
0x66: {  	_ =	shalt  }
0x67: {  	_ =	shalt  }
0x68: {  	_ =	shalt  }
0x69: {  	_ =	shalt  }
0x6a: {  	_ =	shalt  }
0x6b: {  	_ =	shalt  }
0x6c: {  	_ =	shalt  }
0x6d: {  	_ =	shalt  }
0x6e: {  	_ =	shalt  }
0x6f: {  	_ =	shalt  }
0x70: {  	_ =	shalt  }
0x71: {  	_ =	shalt  }
0x72: {  	_ =	shalt  }
0x73: {  	_ =	shalt  }
0x74: {  	_ =	shalt  }
0x75: {  	_ =	shalt  }
0x76: {  	_ =	shalt  }
0x77: {  	_ =	shalt  }
0x78: {  	_ =	shalt  }
0x79: {  	_ =	shalt  }
0x7a: {  	_ =	shalt  }
0x7b: {  	_ =	shalt  }
0x7c: {  	_ =	shalt  }
0x7d: {  	_ =	shalt  }
0x7e: {  	_ =	shalt  }
0x7f: {  	_ =	shalt  }
0x80: {  	_ =	shalt  }
0x81: {  	_ =	shalt  }
0x82: {  	_ =	shalt  }
0x83: {  	_ =	shalt  }
0x84: {  	_ =	shalt  }
0x85: {  	_ =	shalt  }
0x86: {  	_ =	shalt  }
0x87: {  	_ =	shalt  }
.Lfunc_end0:
.L_simem_size_0:
called_computation_lowered:
.L_overlay_start_0:
0x88: {  	s2 =	sld [smem:$0x3FD9]  }
0x89: {  	s3 =	sld [smem:$0x3FFE];
	_ =	sdelay $0x1  }
0x8a: {  	s1 =	srdreg.scid  }
0x8b: {  	s0 =	sand.u32 $0x1, s1  }
0x8c: {  	s14 =	sshll.u32 s0, $0xA;
	s2 =	sadd.s32 s3, s2  }
0x8d: {  	s2 =	sadd.s32 s2, s14  }
0x8e: {  	[smem:$0x3FC2] =	sst s2  }
0x8f: {  	_ = 	snop  }
0x90: {  	s2 =	sld [smem:$0x3FD0];
	_ =	sdelay $0x2  }
0x91: {  	s15 =	simm.s32 $0xA;
	s4 =	simm.s32 $0x10  }
0x92: {  	[smem:s4], [sflag:s15] =	dma.local [hbm:s2], $0x1  }
0x93: {  	_ =	swait.eq [sflag:s15], $0x1  }
0x94: {  	s16 =	sld [smem:$0x10];
	[sflag:s15] =	ssyncset.done $0x0  }
0x95: {  	s17 =	sld [smem:$0x11];
	[sflag:s15] =	ssyncadd.s32 $0xFFFFFFFF  }
0x96: {  	s18 =	sld [smem:$0x12];
	(tm) =	ssettm $0x1  }
0x97: {  	s5 =	sld [smem:$0x3FFB];
	_ =	sdelay $0x3  }
0x98: {  	_ =	strace s5  }
0x99: {  	s5 =	sld [smem:$0x3FFC];
	_ =	sdelay $0x3  }
0x9a: {  	_ =	strace s5  }
0x9b: {  	s5 =	sld [smem:$0x3FFD];
	_ =	sdelay $0x3  }
0x9c: {  	_ =	strace s5  }
0x9d: {  	_ =	strace $0x8FFFFFFF  }
0x9e: {  	s19 =	sld [smem:$0x3FDB];
	_ =	sdelay $0x1  }
0x9f: {  	s6 =	simm.s32 $_scs_section_size  }
0xa0: {  	s7 =	simm.s32 $_size__tile_overlayer_lowered;
	s8 =	simm.s32 $_tile_overlayer_lowered  }
0xa1: {  	s22 =	simm.s32 $0x1BFF;
	s21 =	sshll.u32 s8, $0x1;
	s5 =	sadd.s32 s6, s19  }
0xa2: {  	s9 =	simm.s32 $0x0;
	s20 =	sshll.u32 s7, $0x1;
	s7 =	sadd.s32 s21, s5  }
0xa3: {  	[timem:s9], [sflag:s22] =	dma.local [hbm:s7], s20  }
0xa4: {  	_ =	swait.ge [sflag:s22], s20  }
0xa5: {  	s6 =	ssub.s32 $0x0, s20;
	[sflag:s22] =	ssyncset.done $0x0  }
0xa6: {  	[sflag:s22] =	ssyncadd.s32 s6;
	_ =	sdelay $0x1  }
0xa7: {  	s23 =	simm.s32 $0x1B8B  }
0xa8: {  	_ =	swait.ge [sflag:s23], $0x1  }
0xa9: {  	[sflag:s23] =	ssyncset.done $0x0  }
0xaa: {  	s25 =	simm.s32 $0x1B8E;
	s24 =	sld [smem:$0x3FFE];
	[sflag:s23] =	ssyncadd.s32 $0xFFFFFFFF  }
0xab: {  	s26 =	simm.s32 $execute0_lowered;
	[smem:$0x3FD2] =	sst s25  }
0xac: {  	s7 =	sshll.u32 s26, $0x1;
	_ =	strace $0x80000046;
	[dreg:$0x1] =	wrdreg $0xFFFFFFFF  }
0xad: {  	s28 =	simm.s32 $_size_execute0_lowered;
	s5 =	sadd.s32 s5, s7;
	[dreg:$0x0] =	wrdreg $0x0  }
0xae: {  	s7 =	sshll.u32 s28, $0x1;
	[dreg:$0x2] =	wrdreg s5  }
0xaf: {  	[dreg:$0x3] =	wrdreg s7  }
0xb0: {  	[dreg:$0x4] =	wrdreg $0xC0  }
0xb1: {  	_ =	task [dreg:s9], $0x5FFFF  }
0xb2: {  	[dreg:$0x1] =	wrdreg $0xFFFFFFFF  }
0xb3: {  	[dreg:$0x0] =	wrdreg $0x60  }
0xb4: {  	[dreg:$0x2] =	wrdreg s16  }
0xb5: {  	[dreg:$0x3] =	wrdreg s17  }
0xb6: {  	[dreg:$0x4] =	wrdreg s24  }
0xb7: {  	[dreg:$0x5] =	wrdreg s18  }
0xb8: {  	[dreg:$0x6] =	wrdreg $0xBAA00  }
0xb9: {  	[dreg:$0x7] =	wrdreg $0x1F3200  }
0xba: {  	[dreg:$0x8] =	wrdreg $0x9  }
0xbb: {  	_ =	task.clear_ibuf [dreg:s9], $0x9FFFF;
	_ =	strace $0x90000046  }
0xbc: {  	s29 =	simm.s32 $0x9;
	_ =	strace $0x80000048  }
0xbd: {  	_ =	swait.ge [sflag:s29], $0x1  }
0xbe: {  	[sflag:s29] =	ssyncadd.s32 $0xFFFFFFFF  }
0xbf: {  	_ =	strace $0x90000048  }
0xc0: {  	_ =	sfence  }
0xc1: {  	s30 =	sld [smem:$0x0];
	_ =	sdelay $0x2  }
0xc2: {  	s31 =	sshll.u32 s1, $0xD;
	s1 =	sshrl.u32 s1, $0x2  }
0xc3: {  	s3 =	sand.u32 $0x4000, s31;
	s1 =	sadd.s32 s1, s30  }
0xc4: {  	s0 =	sor.u32 s3, s0;
	s1 =	sshll.u32 s1, $0x11  }
0xc5: {  	s0 =	sor.u32 s1, s0  }
0xc6: {  	s0 =	sadd.s32 $0x8F2B, s0  }
0xc7: {  	[sflag:s0] =	ssyncadd.remote.s32 $0x1  }
0xc8: {  	_ =	sfence.sel $0xFFFF  }
0xc9: {  	[dreg:$0x0] =	wrdreg $0xFFFFFFFF;
	(pc) =	sbr.abs _section_cstart, $3  }
0xca: {  	[dreg:$0x1] =	wrdreg $0xFFFFFFFF  }
0xcb: {  	_ =	task.clear_ibuf [dreg:s9], $0x2FFFF;
	_ =	strace $0x9FFFFFFF  }
0xcc: {  	(tm) =	ssettm $0x7FFFFFFF  }
0xcd: {  	_ =	shalt  }
tec
execute0_lowered:
.L_overlay_start_1:
0x0: {  	(tag) =	ssettag $0x1  }
0x1: {  	s0 =	rddreg [dreg:$0x0]  }
0x2: {  	s1 =	rddreg [dreg:$0x1]  }
0x3: {  	s7 =	rddreg [dreg:$0x2]  }
0x4: {  	s3 =	rddreg [dreg:$0x3];
	v0 =	vlaneseq.u32  }
0x5: {  	s2 =	rddreg [dreg:$0x4];
	v1 =	vimm.f32 $0.0e+00;
	v33 =	vimm.s32 $0xEFCDAB89;
	v34 =	vimm.s32 $0x67452301  }
0x6: {  	s4 =	rddreg [dreg:$0x5];
	s5 =	simm.s32 $0x0;
	v41 =	vimm.s32 $0xDCFE98BA;
	v63 =	vimm.s32 $0x54761032;
	v42 =	vimm.s32 $0xBA98FEDC  }
0x7: {  	s8 =	srdreg.scid;
	s17 =	stileid.u32;
	v43 =	vimm.s32 $0xFEDCBA98;
	v44 =	vimm.s32 $0x32107654;
	v45 =	vimm.s32 $0x76543210;
	s28 =	simm.s32 $0x1  }
0x8: {  	s29 =	simm.s32 $0x4E20;
	s30 =	simm.s32 $0x80;
	s31 =	simm.s32 $0x9020;
	v2 =	vor.u32 $0x10, v0;
	v3 =	vor.u32 $0x20, v0;
	v4 =	vor.u32 $0x30, v0  }
0x9: {  	v5 =	vor.u32 $0x40, v0;
	v6 =	vor.u32 $0x50, v0;
	[smem:$0x7FF] =	sst s5;
	v7 =	vor.u32 $0x60, v0;
	s6 =	sadd.s32 $0x1C00, s7;
	s9 =	sadd.s32 $0xBE00, s7  }
0xa: {  	v8 =	vor.u32 $0x70, v0;
	v9 =	vor.u32 $0x80, v0;
	v10 =	vor.u32 $0x90, v0;
	s8 =	sand.u32 $0x1, s8;
	s24 =	sadd.s32 $0xC400, s7;
	s11 =	smul.u32 $0x4E200, s17  }
0xb: {  	v11 =	vor.u32 $0xA0, v0;
	v12 =	vor.u32 $0xB0, v0;
	v13 =	vor.u32 $0xC0, v0;
	s12 =	sadd.s32 $0xCA00, s7;
	s10 =	sadd.s32 $0x5AC00, s7;
	s13 =	sshll.u32 s17, $0x1  }
0xc: {  	v14 =	vor.u32 $0xD0, v0;
	v15 =	vor.u32 $0xE0, v0;
	v16 =	vor.u32 $0xF0, v0;
	s16 =	smul.u32 $0x13800, s17;
	_ =	strace $0x80000047;
	[dreg:$0x7] =	wrdreg s9  }
0xd: {  	v17 =	vor.u32 $0x100, v0;
	v18 =	vor.u32 $0x110, v0;
	v19 =	vor.u32 $0x120, v0;
	p0 =	sne.s32 s17, $0x0;
	[dreg:$0x8] =	wrdreg s24;
	s14 =	smul.u32 $0x138800, s8  }
0xe: {  	v20 =	vor.u32 $0x130, v0;
	v21 =	vor.u32 $0x140, v0;
	v22 =	vor.u32 $0x150, v0;
	s25 =	ssub.s32 $0x2, s8;
	s13 =	sor.u32 s8, s13;
	s22 =	smul.u32 $0x4E2, s8  }
0xf: {  	v23 =	vor.u32 $0x160, v0;
	v24 =	vor.u32 $0x170, v0;
	v25 =	vor.u32 $0x180, v0;
	s24 =	smul.u32 $0x5100, s17;
	s26 =	sshrl.u32 s25, $0x1;
	s11 =	sshrl.u32 s11, $0x2  }
0x10: {  	v26 =	vor.u32 $0x190, v0;
	v27 =	vor.u32 $0x1A0, v0;
	v28 =	vor.u32 $0x1B0, v0;
	s8 =	smul.u32 $0x2880, s8;
	s11 =	sadd.s32 s11, s2;
	s7 =	ssub.s32 s25, s26  }
0x11: {  	v29 =	vor.u32 $0x1C0, v0;
	v30 =	vor.u32 $0x1D0, v0;
	v31 =	vor.u32 $0x1E0, v0;
	s20 =	sadd.s32 s16, s14;
	s23 =	sshrl.u32 s14, $0x3;
	s16 =	sadd.s32 s16, s2  }
0x12: {  	v32 =	vor.u32 $0x1F0, v0;
	v37 =	vunpack.c.l.s4.s8 v33;
	v38 =	vunpack.c.l.s4.s8 v34;
	s3 =	sadd.s32 s3, s22;
	s26 =	sadd.s32 s8, s24;
	s22 =	simm.s32 $0x5020  }
0x13: {  	v33 =	vor.u32 $0x200, v0;
	v34 =	vor.u32 $0x210, v0;
	v35 =	vor.u32 $0x220, v0;
	s8 =	simm.s32 $0x2;
	s15 =	sadd.s32 $0x4000, s11;
	[dreg:$0xf] =	wrdreg s3  }
0x14: {  	v36 =	vor.u32 $0x230, v0;
	v62 =	vunpack.c.l.s4.s8 v41;
	v41 =	vunpack.c.l.s4.s8 v63;
	s18 =	sadd.s32 $0x8000, s11;
	s19 =	sadd.s32 $0xC000, s11;
	[dreg:$0x11] =	wrdreg s26  }
0x15: {  	v43 =	vunpack.c.l.s4.s8 v43;
	v42 =	vunpack.c.l.s4.s8 v42;
	v44 =	vunpack.c.l.s4.s8 v44;
	s21 =	sadd.s32 $0x10000, s11;
	s9 =	sshrl.u32 s20, $0x3;
	[dreg:$0x9] =	wrdreg s15  }
0x16: {  	v45 =	vunpack.c.l.s4.s8 v45;
	v39 =	vunpack.c.0.s8.s32 v37;
	v40 =	vunpack.c.0.s8.s32 v38;
	s25 =	smax.u32 s7, $0x1;
	s24 =	sshrl.u32 s16, $0x3;
	[dreg:$0xa] =	wrdreg s18  }
0x17: {  	v37 =	vor.u32 $0x240, v0;
	v38 =	vor.u32 $0x250, v0;
	v41 =	vunpack.c.0.s8.s32 v41;
	s26 =	simm.s32 $0x2710;
	[dreg:$0xb] =	wrdreg s19;
	s9 =	sadd.s32 s12, s9  }
0x18: {  	v43 =	vunpack.c.0.s8.s32 v43;
	v42 =	vunpack.c.0.s8.s32 v42;
	v44 =	vunpack.c.0.s8.s32 v44;
	s3 =	simm.s32 $0x4FA0;
	[dreg:$0xd] =	wrdreg s9;
	s9 =	sadd.s32 s12, s23  }
0x19: {  	v45 =	vunpack.c.0.s8.s32 v45;
	v39 =	vcombine.low v40, v39;
	v40 =	vunpack.c.0.s8.s32 v62;
	s7 =	simm.s32 $0x0;
	[dreg:$0xc] =	wrdreg s21;
	s9 =	sadd.s32 $0x27000, s9  }
0x1a: {  	v46 =	vand.u32 $0xF, v43;
	v42 =	vcombine.low v44, v42;
	v43 =	vor.u32 $0x270, v0;
	s15 =	smul.u32 $0x51, s13;
	[dreg:$0xe] =	wrdreg s9;
	s9 =	sadd.s32 $0x138000, s2  }
0x1b: {  	[dreg:$0x10] =	wrdreg s25;
	v44 =	vcombine.low v46, v45;
	s23 =	simm.s32 $0x3;
	v40 =	vcombine.low v41, v40;
	v41 =	vor.u32 $0x260, v0;
	s25 =	sshrl.u32 @!p0 s9, $0x3  }
.LBB2_1:
0x1c: {  	s9 =	simm.s32 $0x0  }
.LBB2_2:
0x1d: {  	p1 =	sne.s32 s9, $0x9FC0  }
.Ltmp0:
0x1e: {  	_ = 	snop;
	(pc) =	sbr.rel @p1 .LBB2_2-.Ltmp0, $3  }
0x1f: {  	_ =	sdelay $0x1  }
0x20: {  	s13 =	sshra.s32 s9, $0x2  }
0x21: {  	s9 =	sadd.s32 $0x40, s9;
	[tilespmem:s13+$0x9020] =	vst v1  }
0x22: {  	s9 =	simm.s32 $0x0;
	s13 =	simm.s32 $0x200  }
.LBB2_4:
0x23: {  	p1 =	sne.s32 s13, $0xFE00;
	[tilespmem:s9+$0x5090] =	vst v1  }
0x24: {  	[tilespmem:s9+$0x5020] =	vst v1  }
0x25: {  	[tilespmem:s9+$0x5030] =	vst v1  }
.Ltmp1:
0x26: {  	[tilespmem:s9+$0x5040] =	vst v1;
	(pc) =	sbr.rel @p1 .LBB2_4-.Ltmp1, $4  }
0x27: {  	[tilespmem:s9+$0x5050] =	vst v1  }
0x28: {  	[tilespmem:s9+$0x5060] =	vst v1  }
0x29: {  	[tilespmem:s9+$0x5070] =	vst v1  }
0x2a: {  	[tilespmem:s9+$0x5080] =	vst v1;
	s9 =	sshra.s32 s13, $0x2;
	s13 =	sadd.s32 $0x200, s13  }
0x2b: {  	[tilespmem:s9+$0x5090] =	vst v1  }
0x2c: {  	[tilespmem:s9+$0x5020] =	vst v1  }
0x2d: {  	[tilespmem:s9+$0x5030] =	vst v1  }
0x2e: {  	[tilespmem:s9+$0x5040] =	vst v1  }
0x2f: {  	[tilespmem:s9+$0x5050] =	vst v1  }
0x30: {  	[tilespmem:s9+$0x5060] =	vst v1  }
0x31: {  	[tilespmem:s9+$0x5070] =	vst v1  }
0x32: {  	[tilespmem:s9+$0x5080] =	vst v1  }
0x33: {  	[spmem:s11] =	stream.linear.scatter [tilespmem:s22], [sflag:$0x3], $0x4000, $0x38;
	[tilespmem:$0x1F5A0] =	vst v63  }
0x34: {  	_ =	swait.ge [sflag:s23], $0x4000  }
0x35: {  	[sflag:s23] =	ssyncset.done $0x0  }
0x36: {  	s16 =	rddreg [dreg:$0x9];
	[sflag:s23] =	ssyncadd.s32 $0xFFFFC000  }
0x37: {  	[spmem:s16] =	stream.linear.scatter [tilespmem:s22], [sflag:$0x3], $0x4000, $0x38;
	[tilespmem:$0x1F5A0] =	vst v63  }
0x38: {  	_ =	swait.ge [sflag:s23], $0x4000  }
0x39: {  	[sflag:s23] =	ssyncset.done $0x0  }
0x3a: {  	s17 =	rddreg [dreg:$0xa];
	[sflag:s23] =	ssyncadd.s32 $0xFFFFC000  }
0x3b: {  	[spmem:s17] =	stream.linear.scatter [tilespmem:s22], [sflag:$0x3], $0x4000, $0x38;
	[tilespmem:$0x1F5A0] =	vst v63  }
0x3c: {  	_ =	swait.ge [sflag:s23], $0x4000  }
0x3d: {  	[sflag:s23] =	ssyncset.done $0x0  }
0x3e: {  	s18 =	rddreg [dreg:$0xb];
	[sflag:s23] =	ssyncadd.s32 $0xFFFFC000  }
0x3f: {  	[spmem:s18] =	stream.linear.scatter [tilespmem:s22], [sflag:$0x3], $0x4000, $0x38;
	[tilespmem:$0x1F5A0] =	vst v63  }
0x40: {  	_ =	swait.ge [sflag:s23], $0x4000  }
0x41: {  	[sflag:s23] =	ssyncset.done $0x0  }
0x42: {  	s19 =	rddreg [dreg:$0xc];
	[sflag:s23] =	ssyncadd.s32 $0xFFFFC000  }
0x43: {  	[spmem:s19] =	stream.linear.scatter [tilespmem:s22], [sflag:$0x3], $0x3880, $0x38;
	[tilespmem:$0x1F5A0] =	vst v63  }
0x44: {  	_ =	swait.ge [sflag:s23], $0x3880  }
0x45: {  	[sflag:s23] =	ssyncset.done $0x0  }
0x46: {  	s9 =	simm.s32 @!p0 $0x9020;
	[sflag:s23] =	ssyncadd.s32 $0xFFFFC780  }
0x47: {  	[spmem:s4] =	stream.linear.scatter @!p0 [tilespmem:s9], [sflag:$0x3], $0x2800, $0x38;
	[tilespmem:$0x1F5A0] =	vst v63  }
0x48: {  	s9 =	simm.s32 @!p0 $0x3  }
0x49: {  	_ =	swait.ge @!p0 [sflag:s9], $0x2800  }
0x4a: {  	[sflag:s9] =	ssyncset.done @!p0 $0x0  }
0x4b: {  	[sflag:s9] =	ssyncadd.s32 @!p0 $0xFFFFD800  }
0x4c: {  	[tilespmem:$0xB820] =	vst v0  }
0x4d: {  	[tilespmem:$0xB830] =	vst v2  }
0x4e: {  	[tilespmem:$0xB840] =	vst v3  }
0x4f: {  	[tilespmem:$0xB850] =	vst v4  }
0x50: {  	[tilespmem:$0xB860] =	vst v5  }
0x51: {  	[tilespmem:$0xB870] =	vst v6  }
0x52: {  	[tilespmem:$0xB880] =	vst v7  }
0x53: {  	[tilespmem:$0xB890] =	vst v8  }
0x54: {  	[tilespmem:$0xB8A0] =	vst v9  }
0x55: {  	[tilespmem:$0xB8B0] =	vst v10  }
0x56: {  	[tilespmem:$0xB8C0] =	vst v11  }
0x57: {  	[tilespmem:$0xB8D0] =	vst v12  }
0x58: {  	[tilespmem:$0xB8E0] =	vst v13  }
0x59: {  	[tilespmem:$0xB8F0] =	vst v14  }
0x5a: {  	[tilespmem:$0xB900] =	vst v15  }
0x5b: {  	[tilespmem:$0xB910] =	vst v16  }
0x5c: {  	[tilespmem:$0xB920] =	vst v17  }
0x5d: {  	[tilespmem:$0xB930] =	vst v18  }
0x5e: {  	[tilespmem:$0xB940] =	vst v19  }
0x5f: {  	[tilespmem:$0xB950] =	vst v20  }
0x60: {  	[tilespmem:$0xB960] =	vst v21  }
0x61: {  	[tilespmem:$0xB970] =	vst v22  }
0x62: {  	[tilespmem:$0xB980] =	vst v23  }
0x63: {  	[tilespmem:$0xB990] =	vst v24  }
0x64: {  	[tilespmem:$0xB9A0] =	vst v25  }
0x65: {  	[tilespmem:$0xB9B0] =	vst v26  }
0x66: {  	[tilespmem:$0xB9C0] =	vst v27  }
0x67: {  	[tilespmem:$0xB9D0] =	vst v28  }
0x68: {  	[tilespmem:$0xB9E0] =	vst v29  }
0x69: {  	[tilespmem:$0xB9F0] =	vst v30  }
0x6a: {  	[tilespmem:$0xBA00] =	vst v31  }
0x6b: {  	[tilespmem:$0xBA10] =	vst v32  }
0x6c: {  	[tilespmem:$0xBA20] =	vst v33  }
0x6d: {  	[tilespmem:$0xBA30] =	vst v34  }
0x6e: {  	[tilespmem:$0xBA40] =	vst v35  }
0x6f: {  	[tilespmem:$0xBA50] =	vst v36  }
0x70: {  	[tilespmem:$0xBA60] =	vst v37  }
0x71: {  	[tilespmem:$0xBA70] =	vst v38  }
0x72: {  	[tilespmem:$0xBA80] =	vst v41  }
0x73: {  	s20 =	rddreg [dreg:$0x7];
	[tilespmem:$0xBA90] =	vst v43  }
0x74: {  	[tilespmem:s5], [sflag:$0x3] =	stream.linear.gather [hbm4b:s20+s5], $0x2710, $0x38;
	[tilespmem:$0x1F5A0] =	vst v63  }
0x75: {  	_ =	swait.ge [sflag:s23], $0x2710  }
0x76: {  	[sflag:s23] =	ssyncset.done $0x0  }
0x77: {  	s21 =	rddreg [dreg:$0x8];
	[sflag:s23] =	ssyncadd.s32 $0xFFFFD8F0  }
0x78: {  	[tilespmem:s26], [sflag:$0x3] =	stream.linear.gather [hbm4b:s21+s5], $0x2710, $0x38;
	[tilespmem:$0x1F5A0] =	vst v63  }
0x79: {  	_ =	swait.ge [sflag:s23], $0x2710  }
0x7a: {  	[sflag:s23] =	ssyncset.done $0x0  }
0x7b: {  	[sflag:s23] =	ssyncadd.s32 $0xFFFFD8F0  }
0x7c: {  	s13 =	simm.s32 $0x10;
	v45 =	vld [tilespmem:$0x0]  }
0x7d: {  	s9 =	simm.s32 $0x80;
	v46 =	vld [tilespmem:s13+$0x0]  }
.LBB2_6:
0x7e: {  	p1 =	sne.s32 s9, $0x9C00  }
.Ltmp2:
0x7f: {  	_ = 	snop;
	(pc) =	sbr.rel @p1 .LBB2_6-.Ltmp2, $3  }
0x80: {  	_ =	sdelay $0x1  }
0x81: {  	s13 =	sshra.s32 s9, $0x2;
	s9 =	sadd.s32 $0x40, s9;
	v45 =	vmax.f32 v45, v46  }
0x82: {  	v46 =	vld [tilespmem:s13+$0x0]  }
0x83: {  	_ =	sdelay $0x3  }
0x84: {  	v45 =	vmax.f32 v45, v46  }
0x85: {  	v46 =	vperm.xlane v45, v39;
	_ =	sdelay $0x1  }
0x86: {  	v45 =	vmax.f32 v45, v46  }
0x87: {  	v46 =	vperm.xlane v45, v40;
	_ =	sdelay $0x1  }
0x88: {  	v45 =	vmax.f32 v45, v46  }
0x89: {  	v46 =	vperm.xlane v45, v42;
	_ =	sdelay $0x1  }
0x8a: {  	v45 =	vmax.f32 v45, v46  }
0x8b: {  	v46 =	vperm.xlane v45, v44  }
0x8c: {  	[bflag:$0x0] =	sbarrier.arrive $0xFFFF  }
0x8d: {  	s9 =	simm.s32 $0x0;
	p1 =	por $0x0, $0x0;
	s21 =	rddreg [dreg:$0x11];
	v45 =	vmax.f32 v45, v46  }
.LBB2_8:
0x8e: {  	s13 =	sadd.s32 s15, s9  }
0x8f: {  	s13 =	sshll.u32 s13, $0x4  }
0x90: {  	s14 =	sadd.s32 s1, s13  }
0x91: {  	[tilespmem:s29], [sflag:$0x3] =	stream.linear.gather [hbm4b:s14+s5], $0x80, $0x38;
	[tilespmem:$0x1F5A0] =	vst v63  }
0x92: {  	s19 =	sshll.u32 s9, $0x7;
	_ =	swait.ge [sflag:s23], $0x80  }
0x93: {  	s14 =	sand.u32 $0x80, s19;
	[sflag:s23] =	ssyncset.done $0x0  }
0x94: {  	s16 =	sadd.s32 s6, s13;
	s14 =	sadd.s32 $0x4EA0, s14;
	[sflag:s23] =	ssyncadd.s32 $0xFFFFFF80  }
0x95: {  	[tilespmem:s14], [sflag:$0x3] =	stream.linear.gather [hbm4b:s16+s5], $0x80, $0x38;
	[tilespmem:$0x1F5A0] =	vst v63  }
0x96: {  	s16 =	simm.s32 $0x1  }
0x97: {  	_ =	swait.ge [sflag:s23], $0x80;
	s16 =	simm.s32 @!p1 $0x0  }
0x98: {  	p2 =	seq.s32 s9, $0x0;
	[sflag:s23] =	ssyncset.done $0x0;
	s16 =	sshll.u32 s16, $0x7  }
0x99: {  	s17 =	simm.s32 @!p2 $0x2;
	[sflag:s23] =	ssyncadd.s32 $0xFFFFFF80;
	s16 =	sadd.s32 $0x4EA0, s16  }
0x9a: {  	_ =	swait.ge @!p2 [sflag:s17], $0x4000;
	v46 =	vmov s16  }
0x9b: {  	[sflag:s17] =	ssyncset.done @!p2 $0x0  }
0x9c: {  	s20 =	simm.s32 $0x0;
	[sflag:s17] =	ssyncadd.s32 @!p2 $0xFFFFC000  }
0x9d: {  	[tilespmem:s22], [sflag:$0x1] =	stream.indirect.gather [hbm4b:s0+s30], $0x80, s29, s30, $0xb8;
	[tilespmem:$0x1F5A0] =	vst v63  }
0x9e: {  	v47 =	vld [tilespmem:s20+$0x4E20]  }
0x9f: {  	v48 =	vld.idx.msk [tilespmem:v46+s20+$0x0 ss:$0x1], $0xffff;
	_ =	sdelay $0x6  }
0xa0: {  	v47 =	vld.idx.msk [tilespmem:v47+s5+$0x0], $0xffff  }
0xa1: {  	v49 =	vld.idx.msk [tilespmem:v48+s26+$0x0], $0xffff;
	_ =	sdelay $0x4  }
0xa2: {  	v47 =	vadd.f32 v49, v47;
	v49 =	vadd.f32 v49, v45;
	_ =	sdelay $0x1  }
0xa3: {  	v50 =	vmul.f32 $2.000000030e-01, v47;
	v51 =	vmul.f32 $2.000000030e-01, v49  }
0xa4: {  	vm0 =	vge.f32 v47, $0.0e+00;
	vm1 =	vge.f32 v49, $0.0e+00  }
0xa5: {  	v47 =	vsel vm0, v47, v50;
	v49 =	vsel vm1, v49, v51  }
0xa6: {  	v47 =	vsub.f32 v47, v49;
	_ =	sdelay $0x1  }
0xa7: {  	v47 =	vmul.f32 $1.442695020e+00, v47;
	_ =	sdelay $0x1  }
0xa8: {  	(erf) = vpow2.f32 v47;
	_ =	sdelay $0x8  }
0xa9: {  	p6 =	slt.u32 s21, $0x50910;
	v47 =	vpop (erf)  }
0xaa: {  	v47 =	vpsel !p6, $0x0, v47  }
0xab: {  	[tilespmem:s20+$0x4FA0] =	vst v47  }
0xac: {  	s16 =	simm.s32 $0x10;
	[tilespmem:v48+s31+$0x0] =	vst.idx.add.f32.msk $0xffff, v47  }
0xad: {  	v48 =	vld [tilespmem:s16+$0x4E20]  }
0xae: {  	s18 =	simm.s32 $0x80;
	s17 =	smov.u32 s21;
	v47 =	vld.idx.msk [tilespmem:v46+s16+$0x0 ss:$0x1], $0xffff  }
.LBB2_9:
0xaf: {  	p2 =	sne.s32 s18, $0x1C0;
	_ =	sdelay $0x5  }
0xb0: {  	v48 =	vld.idx.msk [tilespmem:v48+s5+$0x0], $0xffff  }
0xb1: {  	v49 =	vld.idx.msk [tilespmem:v47+s26+$0x0], $0xffff;
	_ =	sdelay $0x5  }
0xb2: {  	v48 =	vadd.f32 v49, v48;
	v49 =	vadd.f32 v49, v45;
	_ =	sdelay $0x1  }
0xb3: {  	v50 =	vmul.f32 $2.000000030e-01, v48;
	v51 =	vmul.f32 $2.000000030e-01, v49  }
0xb4: {  	vm0 =	vge.f32 v48, $0.0e+00;
	vm1 =	vge.f32 v49, $0.0e+00  }
0xb5: {  	v48 =	vsel vm0, v48, v50;
	v49 =	vsel vm1, v49, v51  }
0xb6: {  	v48 =	vsub.f32 v48, v49;
	_ =	sdelay $0x1  }
0xb7: {  	v48 =	vmul.f32 $1.442695020e+00, v48;
	_ =	sdelay $0x1  }
0xb8: {  	(erf) = vpow2.f32 v48;
	_ =	sdelay $0x7  }
0xb9: {  	s17 =	sadd.s32 $0x10, s17  }
0xba: {  	p3 =	slt.u32 s17, $0x50910;
	v48 =	vpop (erf)  }
.Ltmp3:
0xbb: {  	v48 =	vpsel !p3, $0x0, v48;
	(pc) =	sbr.rel @p2 .LBB2_9-.Ltmp3, $4  }
0xbc: {  	[tilespmem:s16+$0x4FA0] =	vst v48  }
0xbd: {  	s16 =	sshra.s32 s18, $0x2;
	[tilespmem:v47+s31+$0x0] =	vst.idx.add.f32.msk $0xffff, v48  }
0xbe: {  	v48 =	vld [tilespmem:s16+$0x4E20]  }
0xbf: {  	s18 =	sadd.s32 $0x40, s18;
	v47 =	vld.idx.msk [tilespmem:v46+s16+$0x0 ss:$0x1], $0xffff  }
0xc0: {  	_ =	sdelay $0x6  }
0xc1: {  	v46 =	vld.idx.msk [tilespmem:v48+s5+$0x0], $0xffff  }
0xc2: {  	v56 =	vld.idx.msk [tilespmem:v47+s26+$0x0], $0xffff;
	_ =	sdelay $0x4  }
0xc3: {  	v46 =	vadd.f32 v56, v46;
	v48 =	vadd.f32 v56, v45;
	_ =	sdelay $0x1  }
0xc4: {  	v49 =	vmul.f32 $2.000000030e-01, v46;
	v50 =	vmul.f32 $2.000000030e-01, v48  }
0xc5: {  	vm0 =	vge.f32 v46, $0.0e+00;
	vm1 =	vge.f32 v48, $0.0e+00  }
0xc6: {  	v46 =	vsel vm0, v46, v49;
	v48 =	vsel vm1, v48, v50  }
0xc7: {  	v46 =	vsub.f32 v46, v48;
	_ =	sdelay $0x1  }
0xc8: {  	v46 =	vmul.f32 $1.442695020e+00, v46;
	_ =	sdelay $0x1  }
0xc9: {  	(erf) = vpow2.f32 v46;
	_ =	sdelay $0x7  }
0xca: {  	s18 =	sadd.s32 $0x10, s17;
	s17 =	simm.s32 $0x0  }
0xcb: {  	p2 =	slt.u32 s18, $0x50910;
	v57 =	vmov s17;
	v46 =	vpop (erf)  }
0xcc: {  	v48 =	vand.u32 $0xFFFFFFFC, v57;
	v46 =	vpsel !p2, $0x0, v46  }
0xcd: {  	v48 =	vbroadcast v48, $0x0;
	[tilespmem:s16+$0x4FA0] =	vst v46  }
0xce: {  	[tilespmem:v47+s31+$0x0] =	vst.idx.add.f32.msk $0xffff, v46  }
0xcf: {  	_ =	swait.ge [sflag:s28], $0x4000  }
0xd0: {  	[sflag:s28] =	ssyncset.done $0x0  }
0xd1: {  	s16 =	simm.s32 $0x5120;
	[sflag:s28] =	ssyncadd.s32 $0xFFFFC000  }
0xd2: {  	v58 =	vld [tilespmem:s16+$0xFFFFFF70]  }
0xd3: {  	v59 =	vld.idx.msk [tilespmem:v48+s3+$0x0], $0xffff  }
0xd4: {  	v60 =	vld [tilespmem:s16+$0xFFFFFF00]  }
0xd5: {  	v61 =	vld [tilespmem:s16+$0xFFFFFF20]  }
0xd6: {  	v62 =	vld [tilespmem:s16+$0xFFFFFF50]  }
0xd7: {  	v51 =	vld [tilespmem:s16+$0xFFFFFF40]  }
0xd8: {  	v52 =	vld [tilespmem:s16+$0xFFFFFF60];
	v46 =	vmul.f32 v58, v59  }
0xd9: {  	s19 =	simm.s32 $0x1;
	v53 =	vld [tilespmem:s16+$0xFFFFFF30];
	v48 =	vmul.f32 v60, v59  }
0xda: {  	v63 =	vmov s19;
	v54 =	vld [tilespmem:s16+$0xFFFFFF10];
	v49 =	vmul.f32 v61, v59;
	[tilespmem:s16+$0xFFFFFF70] =	vst v46  }
0xdb: {  	v50 =	vmul.f32 v62, v59;
	[tilespmem:s16+$0xFFFFFF00] =	vst v48;
	v46 =	vand.u32 $0xFFFFFFFD, v63  }
0xdc: {  	v55 =	vmul.f32 v51, v59;
	[tilespmem:s16+$0xFFFFFF20] =	vst v49;
	v46 =	vbroadcast v46, $0x0  }
0xdd: {  	v56 =	vmul.f32 v52, v59;
	[tilespmem:s16+$0xFFFFFF50] =	vst v50  }
0xde: {  	v57 =	vmul.f32 v53, v59;
	[tilespmem:s16+$0xFFFFFF40] =	vst v55  }
0xdf: {  	v47 =	vmul.f32 v54, v59;
	[tilespmem:s16+$0xFFFFFF60] =	vst v56  }
0xe0: {  	[tilespmem:s16+$0xFFFFFF30] =	vst v57  }
0xe1: {  	v58 =	vld [tilespmem:s16+$0xFFFFFF90];
	[tilespmem:s16+$0xFFFFFF10] =	vst v47  }
0xe2: {  	v48 =	vld.idx.msk [tilespmem:v46+s3+$0x0], $0xffff  }
0xe3: {  	v59 =	vld [tilespmem:s16+$0xFFFFFFA0]  }
0xe4: {  	v60 =	vld [tilespmem:s16+$0xFFFFFF80]  }
0xe5: {  	v61 =	vld [tilespmem:s16+$0xFFFFFFB0]  }
0xe6: {  	v62 =	vld [tilespmem:s16+$0xFFFFFFC0]  }
0xe7: {  	v63 =	vld [tilespmem:s16+$0xFFFFFFD0];
	v47 =	vmul.f32 v58, v48  }
0xe8: {  	s20 =	simm.s32 $0x2;
	v57 =	vld [tilespmem:s16+$0xFFFFFFF0];
	v46 =	vmul.f32 v59, v48  }
0xe9: {  	v58 =	vld [tilespmem:s16+$0xFFFFFFE0];
	v49 =	vmul.f32 v60, v48;
	v59 =	vmov s20;
	[tilespmem:s16+$0xFFFFFF90] =	vst v47  }
0xea: {  	v50 =	vmul.f32 v61, v48;
	v60 =	vand.u32 $0xFFFFFFFE, v59;
	[tilespmem:s16+$0xFFFFFFA0] =	vst v46  }
0xeb: {  	v51 =	vld [tilespmem:s16+$0x60];
	v61 =	vmul.f32 v62, v48;
	[tilespmem:s16+$0xFFFFFF80] =	vst v49;
	v55 =	vbroadcast v60, $0x0  }
0xec: {  	v52 =	vld [tilespmem:s16+$0x0];
	v62 =	vmul.f32 v63, v48;
	[tilespmem:s16+$0xFFFFFFB0] =	vst v50  }
0xed: {  	v63 =	vmul.f32 v57, v48;
	v46 =	vld [tilespmem:s16+$0x20];
	[tilespmem:s16+$0xFFFFFFC0] =	vst v61  }
0xee: {  	v47 =	vld [tilespmem:s16+$0x30];
	[tilespmem:s16+$0xFFFFFFD0] =	vst v62;
	v48 =	vmul.f32 v58, v48  }
0xef: {  	[tilespmem:s16+$0xFFFFFFF0] =	vst v63;
	v49 =	vld [tilespmem:s16+$0x40]  }
0xf0: {  	v50 =	vld [tilespmem:s16+$0x10];
	[tilespmem:s16+$0xFFFFFFE0] =	vst v48  }
0xf1: {  	s18 =	simm.s32 $0x4;
	s19 =	simm.s32 $0x5120;
	v48 =	vld.idx.msk [tilespmem:v55+s3+$0x0], $0xffff  }
.LBB2_11:
0xf2: {  	p2 =	sne.s32 s18, $0x7C  }
0xf3: {  	v53 =	vld [tilespmem:s16+$0x50];
	s19 =	sadd.s32 $0x200, s19;
	s20 =	smov.u32 s18;
	s18 =	sadd.s32 $0x4, s18  }
0xf4: {  	v54 =	vld [tilespmem:s16+$0x70];
	_ =	sdelay $0x1  }
0xf5: {  	v51 =	vmul.f32 v51, v48;
	v52 =	vmul.f32 v52, v48  }
0xf6: {  	v49 =	vmul.f32 v49, v48;
	v50 =	vmul.f32 v50, v48  }
0xf7: {  	v46 =	vmul.f32 v46, v48;
	v47 =	vmul.f32 v47, v48;
	[tilespmem:s16+$0x60] =	vst v51  }
0xf8: {  	[tilespmem:s16+$0x40] =	vst v49;
	v49 =	vmul.f32 v53, v48;
	v48 =	vmul.f32 v54, v48  }
0xf9: {  	s12 =	sadd.s32 $0x3, s17;
	s17 =	smov.u32 s20;
	[tilespmem:s16+$0x20] =	vst v46;
	v51 =	vld [tilespmem:s16+$0x80]  }
0xfa: {  	v46 =	vld [tilespmem:s19+$0x20];
	[tilespmem:s16+$0x0] =	vst v52;
	v52 =	vmov s12  }
0xfb: {  	[tilespmem:s16+$0x50] =	vst v49;
	v49 =	vld [tilespmem:s16+$0xE0]  }
0xfc: {  	[tilespmem:s16+$0x30] =	vst v47;
	v53 =	vld [tilespmem:s16+$0xC0]  }
0xfd: {  	v47 =	vld [tilespmem:s19+$0x30];
	[tilespmem:s16+$0x10] =	vst v50  }
0xfe: {  	[tilespmem:s16+$0x70] =	vst v48;
	v48 =	vld [tilespmem:s16+$0xA0]  }
0xff: {  	v50 =	vld.idx.msk [tilespmem:v52+s3+$0x0], $0xffff  }
0x100: {  	v52 =	vld [tilespmem:s16+$0x90]  }
0x101: {  	v54 =	vld [tilespmem:s16+$0xB0]  }
0x102: {  	v55 =	vld [tilespmem:s16+$0xD0]  }
0x103: {  	v56 =	vld [tilespmem:s16+$0xF0];
	_ =	sdelay $0x1  }
0x104: {  	v51 =	vmul.f32 v51, v50;
	v52 =	vmul.f32 v52, v50  }
0x105: {  	v48 =	vmul.f32 v48, v50;
	v54 =	vmul.f32 v54, v50  }
0x106: {  	v57 =	vmov s17;
	[tilespmem:s16+$0x80] =	vst v51;
	v51 =	vmul.f32 v53, v50;
	v53 =	vmul.f32 v55, v50  }
0x107: {  	v55 =	vand.u32 $0xFFFFFFFC, v57;
	[tilespmem:s16+$0xA0] =	vst v48;
	v48 =	vmul.f32 v49, v50;
	v49 =	vmul.f32 v56, v50  }
0x108: {  	v50 =	vbroadcast v55, $0x0;
	[tilespmem:s16+$0xC0] =	vst v51  }
0x109: {  	[tilespmem:s16+$0xF0] =	vst v49  }
0x10a: {  	v49 =	vld [tilespmem:s19+$0xFFFFFF40];
	[tilespmem:s16+$0xE0] =	vst v48  }
0x10b: {  	v48 =	vld [tilespmem:s19+$0xFFFFFF50];
	[tilespmem:s16+$0x90] =	vst v52  }
0x10c: {  	v51 =	vld [tilespmem:s19+$0xFFFFFF60];
	[tilespmem:s16+$0xB0] =	vst v54  }
0x10d: {  	v52 =	vld [tilespmem:s19+$0xFFFFFF70];
	[tilespmem:s16+$0xD0] =	vst v53;
	s16 =	smov.u32 s19  }
0x10e: {  	v50 =	vld.idx.msk [tilespmem:v50+s3+$0x0], $0xffff  }
0x10f: {  	v53 =	vld [tilespmem:s19+$0xFFFFFF00]  }
0x110: {  	v54 =	vld [tilespmem:s19+$0xFFFFFF20]  }
0x111: {  	v55 =	vld [tilespmem:s19+$0xFFFFFF10]  }
0x112: {  	v56 =	vld [tilespmem:s19+$0xFFFFFF30];
	_ =	sdelay $0x1  }
0x113: {  	v52 =	vmul.f32 v52, v50;
	v53 =	vmul.f32 v53, v50  }
0x114: {  	s12 =	sadd.s32 $0x1, s17;
	v51 =	vmul.f32 v51, v50;
	v54 =	vmul.f32 v54, v50  }
0x115: {  	v48 =	vmul.f32 v48, v50;
	v55 =	vmul.f32 v55, v50;
	[tilespmem:s19+$0xFFFFFF70] =	vst v52;
	v52 =	vmov s12  }
0x116: {  	v49 =	vmul.f32 v49, v50;
	[tilespmem:s19+$0xFFFFFF00] =	vst v53;
	v53 =	vmul.f32 v56, v50;
	v50 =	vand.u32 $0xFFFFFFFD, v52  }
0x117: {  	[tilespmem:s19+$0xFFFFFF20] =	vst v54;
	v50 =	vbroadcast v50, $0x0  }
0x118: {  	[tilespmem:s19+$0xFFFFFF50] =	vst v48  }
0x119: {  	[tilespmem:s19+$0xFFFFFF40] =	vst v49;
	v48 =	vld [tilespmem:s19+$0xFFFFFFF0]  }
0x11a: {  	[tilespmem:s19+$0xFFFFFF60] =	vst v51;
	v49 =	vld [tilespmem:s19+$0xFFFFFFC0]  }
0x11b: {  	[tilespmem:s19+$0xFFFFFF30] =	vst v53;
	v51 =	vld [tilespmem:s19+$0xFFFFFFD0]  }
0x11c: {  	[tilespmem:s19+$0xFFFFFF10] =	vst v55;
	v52 =	vld [tilespmem:s19+$0xFFFFFF90]  }
0x11d: {  	v50 =	vld.idx.msk [tilespmem:v50+s3+$0x0], $0xffff  }
0x11e: {  	v53 =	vld [tilespmem:s19+$0xFFFFFF80]  }
0x11f: {  	v54 =	vld [tilespmem:s19+$0xFFFFFFA0]  }
0x120: {  	v55 =	vld [tilespmem:s19+$0xFFFFFFB0]  }
0x121: {  	v56 =	vld [tilespmem:s19+$0xFFFFFFE0];
	_ =	sdelay $0x1  }
0x122: {  	v52 =	vmul.f32 v52, v50;
	v53 =	vmul.f32 v53, v50  }
0x123: {  	s12 =	sadd.s32 $0x2, s17;
	v51 =	vmul.f32 v51, v50;
	v54 =	vmul.f32 v54, v50  }
0x124: {  	v49 =	vmul.f32 v49, v50;
	[tilespmem:s19+$0xFFFFFF90] =	vst v52;
	v52 =	vmul.f32 v55, v50;
	v55 =	vmov s12  }
0x125: {  	v48 =	vmul.f32 v48, v50;
	[tilespmem:s19+$0xFFFFFFA0] =	vst v54;
	v54 =	vmul.f32 v56, v50;
	v50 =	vand.u32 $0xFFFFFFFE, v55  }
0x126: {  	[tilespmem:s19+$0xFFFFFF80] =	vst v53;
	v50 =	vbroadcast v50, $0x0  }
0x127: {  	[tilespmem:s19+$0xFFFFFFB0] =	vst v52  }
0x128: {  	[tilespmem:s19+$0xFFFFFFC0] =	vst v49  }
0x129: {  	[tilespmem:s19+$0xFFFFFFD0] =	vst v51  }
.Ltmp4:
0x12a: {  	[tilespmem:s19+$0xFFFFFFF0] =	vst v48;
	v49 =	vld [tilespmem:s19+$0x40];
	(pc) =	sbr.rel @p2 .LBB2_11-.Ltmp4, $4  }
0x12b: {  	[tilespmem:s19+$0xFFFFFFE0] =	vst v54;
	v51 =	vld [tilespmem:s19+$0x60]  }
0x12c: {  	v48 =	vld.idx.msk [tilespmem:v50+s3+$0x0], $0xffff  }
0x12d: {  	v52 =	vld [tilespmem:s19+$0x0]  }
0x12e: {  	v50 =	vld [tilespmem:s19+$0x10]  }
0x12f: {  	_ =	sdelay $0x1  }
0x130: {  	v51 =	vmul.f32 v51, v48  }
0x131: {  	v53 =	vld [tilespmem:s16+$0x50];
	v49 =	vmul.f32 v49, v48  }
0x132: {  	v54 =	vld [tilespmem:s16+$0x70];
	v46 =	vmul.f32 v46, v48;
	[tilespmem:s16+$0x60] =	vst v51  }
0x133: {  	v55 =	vmul.f32 v47, v48;
	[tilespmem:s16+$0x40] =	vst v49  }
0x134: {  	s12 =	sadd.s32 $0x3, s17;
	v62 =	vmul.f32 v52, v48;
	[tilespmem:s16+$0x20] =	vst v46  }
0x135: {  	v57 =	vmov s12;
	v50 =	vmul.f32 v50, v48;
	[tilespmem:s16+$0x30] =	vst v55  }
0x136: {  	v63 =	vmul.f32 v53, v48;
	[tilespmem:s16+$0x0] =	vst v62  }
0x137: {  	v58 =	vmul.f32 v54, v48;
	[tilespmem:s16+$0x10] =	vst v50  }
0x138: {  	[tilespmem:s16+$0x50] =	vst v63  }
0x139: {  	v56 =	vld [tilespmem:s16+$0x80];
	[tilespmem:s16+$0x70] =	vst v58  }
0x13a: {  	v46 =	vld.idx.msk [tilespmem:v57+s3+$0x0], $0xffff  }
0x13b: {  	v59 =	vld [tilespmem:s16+$0xA0]  }
0x13c: {  	v60 =	vld [tilespmem:s16+$0xC0]  }
0x13d: {  	v61 =	vld [tilespmem:s16+$0xF0]  }
0x13e: {  	v62 =	vld [tilespmem:s16+$0xE0]  }
0x13f: {  	v63 =	vld [tilespmem:s16+$0x90];
	v47 =	vmul.f32 v56, v46  }
0x140: {  	v57 =	vld [tilespmem:s16+$0xB0];
	v48 =	vmul.f32 v59, v46  }
0x141: {  	v58 =	vld [tilespmem:s16+$0xD0];
	v59 =	vmul.f32 v60, v46;
	[tilespmem:s16+$0x80] =	vst v47  }
0x142: {  	v60 =	vmul.f32 v61, v46;
	[tilespmem:s16+$0xA0] =	vst v48  }
0x143: {  	v61 =	vmul.f32 v62, v46;
	[tilespmem:s16+$0xC0] =	vst v59  }
0x144: {  	v62 =	vmul.f32 v63, v46;
	[tilespmem:s16+$0xF0] =	vst v60  }
0x145: {  	v63 =	vmul.f32 v57, v46;
	[tilespmem:s16+$0xE0] =	vst v61  }
0x146: {  	v46 =	vmul.f32 v58, v46;
	[tilespmem:s16+$0x90] =	vst v62  }
0x147: {  	s9 =	sadd.s32 $0x1, s9;
	[tilespmem:s16+$0xB0] =	vst v63  }
0x148: {  	p2 =	sne.s32 s9, $0x51;
	[tilespmem:s16+$0xD0] =	vst v46  }
0x149: {  	[spmem:s2] =	stream.indirect.scatter.add.f32 [tilespmem:s22], [sflag:$0x2], $0x80, s14, s30, $0xb8;
	[tilespmem:$0x1F5A0] =	vst v63  }
.Ltmp5:
0x14a: {  	s20 =	sadd.s32 s10, s13;
	(pc) =	sbr.rel @p2 .LBB2_8-.Ltmp5, $4  }
0x14b: {  	[hbm4b:s20+s5] =	stream.linear.scatter [tilespmem:s3], [sflag:$0x3], $0x80, $0x38;
	[tilespmem:$0x1F5A0] =	vst v63  }
0x14c: {  	_ =	swait.ge [sflag:s23], $0x80  }
0x14d: {  	[sflag:s23] =	ssyncset.done $0x0  }
0x14e: {  	s21 =	sadd.s32 $0x80, s21;
	p1 =	por !p1, !p1;
	[sflag:s23] =	ssyncadd.s32 $0xFFFFFF80  }
0x14f: {  	_ =	swait.ge [sflag:s8], $0x4000  }
0x150: {  	[sflag:s8] =	ssyncset.done $0x0  }
0x151: {  	[sflag:s8] =	ssyncadd.s32 $0xFFFFC000  }
0x152: {  	s9 =	simm.s32 $0xB820;
	[bflag:$0x0] =	sbarrier.arrive $0xFFFF  }
0x153: {  	[spmem:s4] =	stream.indirect.scatter.add.f32 [tilespmem:s31], [sflag:$0x3], $0x10, s9, s30, $0xb8;
	[tilespmem:$0x1F5A0] =	vst v63  }
0x154: {  	_ =	swait.ge [sflag:s23], $0x800  }
0x155: {  	[sflag:s23] =	ssyncset.done $0x0  }
0x156: {  	s21 =	simm.s32 $0xB8A0;
	s12 =	simm.s32 $0x9820;
	[sflag:s23] =	ssyncadd.s32 $0xFFFFF800  }
0x157: {  	[spmem:s4] =	stream.indirect.scatter.add.f32 [tilespmem:s12], [sflag:$0x3], $0x10, s21, s30, $0xb8;
	[tilespmem:$0x1F5A0] =	vst v63  }
0x158: {  	_ =	swait.ge [sflag:s23], $0x800  }
0x159: {  	[sflag:s23] =	ssyncset.done $0x0  }
0x15a: {  	s13 =	simm.s32 $0xA020;
	s12 =	simm.s32 $0xB920;
	[sflag:s23] =	ssyncadd.s32 $0xFFFFF800  }
0x15b: {  	[spmem:s4] =	stream.indirect.scatter.add.f32 [tilespmem:s13], [sflag:$0x3], $0x10, s12, s30, $0xb8;
	[tilespmem:$0x1F5A0] =	vst v63  }
0x15c: {  	_ =	swait.ge [sflag:s23], $0x800  }
0x15d: {  	[sflag:s23] =	ssyncset.done $0x0  }
0x15e: {  	s14 =	simm.s32 $0xB9A0;
	s16 =	simm.s32 $0xA820;
	[sflag:s23] =	ssyncadd.s32 $0xFFFFF800  }
0x15f: {  	[spmem:s4] =	stream.indirect.scatter.add.f32 [tilespmem:s16], [sflag:$0x3], $0x10, s14, s30, $0xb8;
	[tilespmem:$0x1F5A0] =	vst v63  }
0x160: {  	_ =	swait.ge [sflag:s23], $0x800  }
0x161: {  	[sflag:s23] =	ssyncset.done $0x0  }
0x162: {  	s17 =	simm.s32 $0xBA20;
	s18 =	simm.s32 $0xB020;
	[sflag:s23] =	ssyncadd.s32 $0xFFFFF800  }
0x163: {  	[spmem:s4] =	stream.indirect.scatter.add.f32 [tilespmem:s18], [sflag:$0x3], $0x10, s17, s30, $0xb8;
	[tilespmem:$0x1F5A0] =	vst v63  }
0x164: {  	_ =	swait.ge [sflag:s23], $0x800  }
0x165: {  	[sflag:s23] =	ssyncset.done $0x0  }
0x166: {  	s19 =	stileid.u32;
	[sflag:s23] =	ssyncadd.s32 $0xFFFFF800  }
0x167: {  	s9 =	sshll.u32 s19, $0x6;
	[bflag:$0x0] =	sbarrier.arrive $0xFFFF  }
0x168: {  	s9 =	sor.u32 $0x1C03, s9;
	s20 =	rddreg [dreg:$0xd]  }
0x169: {  	[hbm:s20], [sflag:s9] =	dma.local [spmem:s24], $0x2700  }
0x16a: {  	_ =	swait.ge [sflag:s23], $0x2700  }
0x16b: {  	[sflag:s23] =	ssyncset.done $0x0  }
0x16c: {  	s12 =	rddreg [dreg:$0xe];
	[sflag:s23] =	ssyncadd.s32 $0xFFFFD900  }
0x16d: {  	[hbm:s12], [sflag:s9] =	dma.local @!p0 [spmem:s25], $0x100  }
0x16e: {  	s12 =	simm.s32 @!p0 $0x3  }
0x16f: {  	_ =	swait.ge @!p0 [sflag:s12], $0x100  }
0x170: {  	[sflag:s12] =	ssyncset.done @!p0 $0x0  }
0x171: {  	s13 =	sshrl.u32 @!p0 s4, $0x3;
	s14 =	rddreg [dreg:$0xf];
	[sflag:s12] =	ssyncadd.s32 @!p0 $0xFFFFFF00  }
0x172: {  	[hbm:s14], [sflag:s9] =	dma.local @!p0 [spmem:s13], $0x4E2  }
0x173: {  	_ =	swait.ge @!p0 [sflag:s12], $0x4E2  }
0x174: {  	s7 =	sadd.s32 $0x1, s7;
	s21 =	rddreg [dreg:$0x10]  }
0x175: {  	p1 =	sne.s32 s7, s21  }
.Ltmp6:
0x176: {  	_ = 	snop;
	(pc) =	sbr.rel @p1 .LBB2_1-.Ltmp6, $3  }
0x177: {  	_ =	sdelay $0x1  }
0x178: {  	[sflag:s12] =	ssyncset.done @!p0 $0x0  }
0x179: {  	[sflag:s12] =	ssyncadd.s32 @!p0 $0xFFFFFB1E  }
0x17a: {  	_ =	sfence.sel $0x180000  }
0x17b: {  	[bflag:$0x0] =	sbarrier.arrive $0xFFFF  }
0x17c: {  	_ =	strace $0x90000047  }
0x17d: {  	[bflag:$0x2] =	sbarrier.arrive $0xFFFF  }
0x17e: {  	s0 =	rddreg [dreg:$0x6]  }
0x17f: {  	s0 =	sadd.s32 @!p0 $0x100000, s0  }
0x180: {  	[sflag:s0] =	ssyncadd.tile.s32 @!p0 $0x1;
	_ =	shalt  }
.Lfunc_end2:
_tile_overlayer_lowered:
.L_overlay_start_2:
0x181: {  	(tag) =	ssettag $0x2  }
0x182: {  	s0 =	rddreg [dreg:$0x0];
	s2 =	stileid.u32  }
0x183: {  	s1 =	rddreg [dreg:$0x1];
	p0 =	sne.s32 s2, $0x0  }
0x184: {  	s3 =	rddreg [dreg:$0x2];
	[bflag:$0x3] =	sbarrier.arrive $0xFFFF;
	s2 =	simm.s32 @!p0 $0x1C03  }
0x185: {  	[timem:s3], [sflag:s2] =	dma.local @!p0 [hbm:s0], s1  }
0x186: {  	s0 =	simm.s32 @!p0 $0x3  }
0x187: {  	_ =	swait.ge @!p0 [sflag:s0], s1  }
0x188: {  	s1 =	ssub.s32 @!p0 $0x0, s1;
	[sflag:s0] =	ssyncset.done @!p0 $0x0  }
0x189: {  	[sflag:s0] =	ssyncadd.s32 @!p0 s1  }
0x18a: {  	[bflag:$0x3] =	sbarrier.arrive $0xFFFF  }
0x18b: {  	_ =	shalt  }

// kernel: kernel.9.cloned.1.call-start
scs
__scs_entry_jumppad:
0x0: {  	(pc) =	sbr.rel $0x88, $3  }
0x1: {  	(tag) =	ssettag $0x0;
	lr =	simm.s32 $0x1  }
0x2: {  	[smem:$0x3F9B] =	sst lr;
	_ =	strace $0xD0000000  }
0x3: {  	_ = 	snop  }
0x4: {  	_ = 	snop  }
0x5: {  	_ = 	snop  }
0x6: {  	_ = 	snop  }
0x7: {  	_ = 	snop  }
__scs_overlays_trampoline_lowered:
0x8: {  	[smem:$0x3FAA] =	sst s0  }
0x9: {  	[smem:$0x3FAB] =	sst s1  }
0xa: {  	[smem:$0x3FAC] =	sst s2  }
0xb: {  	[smem:$0x3FAD] =	sst s3  }
0xc: {  	[smem:$0x3FAE] =	sst s4  }
0xd: {  	[smem:$0x3FAF] =	sst s5  }
0xe: {  	[smem:$0x3FB0] =	sst s6  }
0xf: {  	[smem:$0x3FB1] =	sst s7  }
0x10: {  	[smem:$0x3FB2] =	sst s8  }
0x11: {  	[smem:$0x3FB3] =	sst s9;
	s0 =	simm.s32 @!p0 $0x0  }
0x12: {  	s1 =	sld [smem:$0x3F99];
	s0 =	simm.s32 @p0 $0x1  }
0x13: {  	[smem:$0x3FB4] =	sst s0;
	s0 =	simm.s32 @!p1 $0x0  }
0x14: {  	s2 =	sld [smem:$0x3F98];
	s0 =	simm.s32 @p1 $0x1  }
0x15: {  	[smem:$0x3FB5] =	sst s0;
	s0 =	simm.s32 @!p2 $0x0  }
0x16: {  	s3 =	sld [smem:$0x3FDB];
	s0 =	simm.s32 @p2 $0x1  }
0x17: {  	s4 =	simm.s32 $0x1BF5;
	[smem:$0x3FB7] =	sst s0  }
0x18: {  	s0 =	sld [smem:$0x3F9A];
	_ =	swait.ge [sflag:s4], $0x0  }
0x19: {  	s7 =	sld [smem:$0x3F9B]  }
0x1a: {  	s8 =	sadd.s32 $0xFFFFE003, lr  }
0x1b: {  	s9 =	sadd.s32 $0xFFFFFEF7, lr;
	s5 =	simm.s32 $0xFFFFFFFF;
	p2 =	slt.u32 s8, $0xFFFFF086  }
0x1c: {  	p1 =	slt.u32 s9, $0xF7A;
	s5 =	simm.s32 @!p2 $0x0  }
0x1d: {  	s5 =	simm.s32 @p1 $0x1;
	p0 =	seq.s32 s7, s2  }
0x1e: {  	s7 =	smul.u32 @!p0 $0xF7A, s2;
	p2 =	seq.s32 @!p0 s5, $0x0  }
0x1f: {  	s9 =	smul.u32 $0xF7A, s1;
	s8 =	simm.s32 @!p0 $0x1BF5;
	p2 =	por !p2, p0  }
0x20: {  	[sflag:s8] =	ssyncset.s32 @!p0 $0xFFFFF086;
	s6 =	sadd.s32 @!p0 s3, s7;
	s7 =	simm.s32 @!p0 $0x108  }
0x21: {  	s3 =	sadd.s32 s3, s9;
	s6 =	sadd.s32 @!p0 $0x88, s6;
	s7 =	simm.s32 @p2 $0x1082  }
0x22: {  	[simem:s7], [sflag:s8] =	dma.local @!p0 [hbm:s6], $0xF7A  }
0x23: {  	s9 =	sor.u32 $0xD0000000, s2;
	s6 =	simm.s32 $0x108;
	_ =	swait.ge @!p0 [sflag:s8], $0x0  }
0x24: {  	s3 =	sadd.s32 $0x88, s3;
	s6 =	simm.s32 @!p1 $0x1082;
	[sflag:s4] =	ssyncset.s32 $0xFFFFF086  }
0x25: {  	[simem:s6], [sflag:s4] =	dma.local [hbm:s3], $0xF7A  }
0x26: {  	[smem:$0x3F9B] =	sst s1;
	(tag) =	ssettag s2;
	_ =	strace s9  }
0x27: {  	s1 =	sld [smem:$0x3FAB]  }
0x28: {  	s2 =	sld [smem:$0x3FAC]  }
0x29: {  	s4 =	sld [smem:$0x3FAE]  }
0x2a: {  	p0 =	seq.s32 s5, $0x0;
	s5 =	sld [smem:$0x3FAF]  }
0x2b: {  	s6 =	sld [smem:$0x3FB0]  }
0x2c: {  	s7 =	sld [smem:$0x3FB1]  }
0x2d: {  	s3 =	simm.s32 $0x108;
	s8 =	sld [smem:$0x3FB2]  }
0x2e: {  	s3 =	simm.s32 @!p0 $0x1082;
	s9 =	sld [smem:$0x3FB3]  }
0x2f: {  	lr =	sadd.s32 s0, s3;
	s0 =	sld [smem:$0x3FAA]  }
0x30: {  	s3 =	sld [smem:$0x3FAD]  }
0x31: {  	[smem:$0x3FB6] =	sst s10  }
0x32: {  	s10 =	sld [smem:$0x3FB4];
	_ =	sdelay $0x3  }
0x33: {  	p0 =	seq.s32 s10, $0x1;
	s10 =	sld [smem:$0x3FB6];
	_ =	sdelay $0x3  }
0x34: {  	[smem:$0x3FB6] =	sst s10  }
0x35: {  	s10 =	sld [smem:$0x3FB5];
	_ =	sdelay $0x3  }
0x36: {  	p1 =	seq.s32 s10, $0x1;
	s10 =	sld [smem:$0x3FB6];
	_ =	sdelay $0x3  }
0x37: {  	[smem:$0x3FB6] =	sst s10  }
0x38: {  	s10 =	sld [smem:$0x3FB7]  }
0x39: {  	_ = 	snop;
	(pc) =	sbr.ind lr, $3  }
0x3a: {  	_ = 	snop  }
0x3b: {  	_ = 	snop  }
0x3c: {  	p2 =	seq.s32 s10, $0x1;
	s10 =	sld [smem:$0x3FB6]  }
0x3d: {  	_ =	shalt  }
0x3e: {  	_ =	shalt  }
0x3f: {  	_ =	shalt  }
0x40: {  	_ =	shalt  }
0x41: {  	_ =	shalt  }
0x42: {  	_ =	shalt  }
0x43: {  	_ =	shalt  }
0x44: {  	_ =	shalt  }
0x45: {  	_ =	shalt  }
0x46: {  	_ =	shalt  }
0x47: {  	_ =	shalt  }
0x48: {  	_ =	shalt  }
0x49: {  	_ =	shalt  }
0x4a: {  	_ =	shalt  }
0x4b: {  	_ =	shalt  }
0x4c: {  	_ =	shalt  }
0x4d: {  	_ =	shalt  }
0x4e: {  	_ =	shalt  }
0x4f: {  	_ =	shalt  }
0x50: {  	_ =	shalt  }
0x51: {  	_ =	shalt  }
0x52: {  	_ =	shalt  }
0x53: {  	_ =	shalt  }
0x54: {  	_ =	shalt  }
0x55: {  	_ =	shalt  }
0x56: {  	_ =	shalt  }
0x57: {  	_ =	shalt  }
0x58: {  	_ =	shalt  }
0x59: {  	_ =	shalt  }
0x5a: {  	_ =	shalt  }
0x5b: {  	_ =	shalt  }
0x5c: {  	_ =	shalt  }
0x5d: {  	_ =	shalt  }
0x5e: {  	_ =	shalt  }
0x5f: {  	_ =	shalt  }
0x60: {  	_ =	shalt  }
0x61: {  	_ =	shalt  }
0x62: {  	_ =	shalt  }
0x63: {  	_ =	shalt  }
0x64: {  	_ =	shalt  }
0x65: {  	_ =	shalt  }
0x66: {  	_ =	shalt  }
0x67: {  	_ =	shalt  }
0x68: {  	_ =	shalt  }
0x69: {  	_ =	shalt  }
0x6a: {  	_ =	shalt  }
0x6b: {  	_ =	shalt  }
0x6c: {  	_ =	shalt  }
0x6d: {  	_ =	shalt  }
0x6e: {  	_ =	shalt  }
0x6f: {  	_ =	shalt  }
0x70: {  	_ =	shalt  }
0x71: {  	_ =	shalt  }
0x72: {  	_ =	shalt  }
0x73: {  	_ =	shalt  }
0x74: {  	_ =	shalt  }
0x75: {  	_ =	shalt  }
0x76: {  	_ =	shalt  }
0x77: {  	_ =	shalt  }
0x78: {  	_ =	shalt  }
0x79: {  	_ =	shalt  }
0x7a: {  	_ =	shalt  }
0x7b: {  	_ =	shalt  }
0x7c: {  	_ =	shalt  }
0x7d: {  	_ =	shalt  }
0x7e: {  	_ =	shalt  }
0x7f: {  	_ =	shalt  }
0x80: {  	_ =	shalt  }
0x81: {  	_ =	shalt  }
0x82: {  	_ =	shalt  }
0x83: {  	_ =	shalt  }
0x84: {  	_ =	shalt  }
0x85: {  	_ =	shalt  }
0x86: {  	_ =	shalt  }
0x87: {  	_ =	shalt  }
.Lfunc_end0:
.L_simem_size_0:
called_computation.1_lowered:
.L_overlay_start_0:
0x88: {  	s2 =	sld [smem:$0x3FD9]  }
0x89: {  	s3 =	sld [smem:$0x3FFE];
	_ =	sdelay $0x1  }
0x8a: {  	s1 =	srdreg.scid  }
0x8b: {  	s0 =	sand.u32 $0x1, s1  }
0x8c: {  	s14 =	sshll.u32 s0, $0xA;
	s2 =	sadd.s32 s3, s2  }
0x8d: {  	s2 =	sadd.s32 s2, s14  }
0x8e: {  	[smem:$0x3FC2] =	sst s2  }
0x8f: {  	_ = 	snop  }
0x90: {  	s2 =	sld [smem:$0x3FD0];
	_ =	sdelay $0x2  }
0x91: {  	s15 =	simm.s32 $0xA;
	s4 =	simm.s32 $0x10  }
0x92: {  	[smem:s4], [sflag:s15] =	dma.local [hbm:s2], $0x1  }
0x93: {  	_ =	swait.eq [sflag:s15], $0x1  }
0x94: {  	[sflag:s15] =	ssyncset.done $0x0  }
0x95: {  	[sflag:s15] =	ssyncadd.s32 $0xFFFFFFFF  }
0x96: {  	s16 =	sld [smem:$0x12];
	(tm) =	ssettm $0x1  }
0x97: {  	s17 =	sld [smem:$0x3FFB];
	_ =	sdelay $0x3  }
0x98: {  	_ =	strace s17  }
0x99: {  	s3 =	sld [smem:$0x3FFC];
	_ =	sdelay $0x3  }
0x9a: {  	_ =	strace s3  }
0x9b: {  	s3 =	sld [smem:$0x3FFD];
	_ =	sdelay $0x3  }
0x9c: {  	_ =	strace s3  }
0x9d: {  	_ =	strace $0x8FFFFFFF  }
0x9e: {  	s18 =	sld [smem:$0x3FDB];
	_ =	sdelay $0x1  }
0x9f: {  	s19 =	simm.s32 $_scs_section_size  }
0xa0: {  	s5 =	simm.s32 $_size__tile_overlayer_lowered;
	s6 =	simm.s32 $_tile_overlayer_lowered  }
0xa1: {  	s22 =	simm.s32 $0x1BFF;
	s21 =	sshll.u32 s6, $0x1;
	s3 =	sadd.s32 s19, s18  }
0xa2: {  	s7 =	simm.s32 $0x0;
	s20 =	sshll.u32 s5, $0x1;
	s5 =	sadd.s32 s21, s3  }
0xa3: {  	[timem:s7], [sflag:s22] =	dma.local [hbm:s5], s20  }
0xa4: {  	_ =	swait.ge [sflag:s22], s20  }
0xa5: {  	s4 =	ssub.s32 $0x0, s20;
	[sflag:s22] =	ssyncset.done $0x0  }
0xa6: {  	[sflag:s22] =	ssyncadd.s32 s4;
	_ =	sdelay $0x1  }
0xa7: {  	s23 =	simm.s32 $0x1B8B  }
0xa8: {  	_ =	swait.ge [sflag:s23], $0x1  }
0xa9: {  	[sflag:s23] =	ssyncset.done $0x0  }
0xaa: {  	s25 =	simm.s32 $0x1B8E;
	s24 =	sld [smem:$0x3FFE];
	[sflag:s23] =	ssyncadd.s32 $0xFFFFFFFF  }
0xab: {  	s26 =	simm.s32 $execute0_lowered;
	[smem:$0x3FD2] =	sst s25  }
0xac: {  	s5 =	sshll.u32 s26, $0x1;
	_ =	strace $0x80000049;
	[dreg:$0x1] =	wrdreg $0xFFFFFFFF  }
0xad: {  	s28 =	simm.s32 $_size_execute0_lowered;
	s3 =	sadd.s32 s3, s5;
	[dreg:$0x0] =	wrdreg $0x0  }
0xae: {  	s5 =	sshll.u32 s28, $0x1;
	[dreg:$0x2] =	wrdreg s3  }
0xaf: {  	[dreg:$0x3] =	wrdreg s5  }
0xb0: {  	[dreg:$0x4] =	wrdreg $0xC0  }
0xb1: {  	_ =	task [dreg:s7], $0x5FFFF  }
0xb2: {  	[dreg:$0x1] =	wrdreg $0xFFFFFFFF  }
0xb3: {  	[dreg:$0x0] =	wrdreg $0x60  }
0xb4: {  	[dreg:$0x2] =	wrdreg s24  }
0xb5: {  	[dreg:$0x3] =	wrdreg s16  }
0xb6: {  	[dreg:$0x4] =	wrdreg $0x9  }
0xb7: {  	_ =	task.clear_ibuf [dreg:s7], $0x5FFFF;
	_ =	strace $0x90000049  }
0xb8: {  	s29 =	simm.s32 $0x9;
	_ =	strace $0x8000004B  }
0xb9: {  	_ =	swait.ge [sflag:s29], $0x1  }
0xba: {  	[sflag:s29] =	ssyncadd.s32 $0xFFFFFFFF  }
0xbb: {  	_ =	strace $0x9000004B  }
0xbc: {  	_ =	sfence  }
0xbd: {  	s30 =	sld [smem:$0x0];
	_ =	sdelay $0x2  }
0xbe: {  	s31 =	sshll.u32 s1, $0xD;
	s1 =	sshrl.u32 s1, $0x2  }
0xbf: {  	s3 =	sand.u32 $0x4000, s31;
	s1 =	sadd.s32 s1, s30  }
0xc0: {  	s0 =	sor.u32 s3, s0;
	s1 =	sshll.u32 s1, $0x11  }
0xc1: {  	s0 =	sor.u32 s1, s0  }
0xc2: {  	s0 =	sadd.s32 $0x8F2B, s0  }
0xc3: {  	[sflag:s0] =	ssyncadd.remote.s32 $0x1  }
0xc4: {  	_ =	sfence.sel $0xFFFF  }
0xc5: {  	[dreg:$0x0] =	wrdreg $0xFFFFFFFF;
	(pc) =	sbr.abs _section_cstart, $3  }
0xc6: {  	[dreg:$0x1] =	wrdreg $0xFFFFFFFF  }
0xc7: {  	_ =	task.clear_ibuf [dreg:s7], $0x2FFFF;
	_ =	strace $0x9FFFFFFF  }
0xc8: {  	(tm) =	ssettm $0x7FFFFFFF  }
0xc9: {  	_ =	shalt  }
tec
execute0_lowered:
.L_overlay_start_1:
0x0: {  	(tag) =	ssettag $0x1  }
0x1: {  	s1 =	srdreg.scid  }
0x2: {  	s0 =	stileid.u32;
	s4 =	rddreg [dreg:$0x0]  }
0x3: {  	s2 =	rddreg [dreg:$0x1];
	s3 =	simm.s32 $0x0;
	s9 =	simm.s32 $0x1  }
0x4: {  	s10 =	simm.s32 $0x2710;
	s11 =	simm.s32 $0x4E20;
	s12 =	simm.s32 $0x62A0  }
0x5: {  	s13 =	simm.s32 $0x7720;
	s5 =	sand.u32 $0x1, s1;
	s30 =	sshll.u32 s0, $0x1  }
0x6: {  	s14 =	simm.s32 $0x0;
	s6 =	sor.u32 s5, s30;
	s5 =	ssub.s32 $0x2, s5  }
0x7: {  	[smem:$0x7FF] =	sst s3;
	s6 =	smul.u32 $0x510, s6;
	s31 =	sshrl.u32 s5, $0x1  }
0x8: {  	s1 =	rddreg [dreg:$0x2];
	_ =	strace $0x8000004A;
	s8 =	ssub.s32 s5, s31  }
0x9: {  	s7 =	sadd.s32 s6, s4;
	s4 =	sadd.s32 $0x4E2, s2;
	s8 =	smax.u32 s8, $0x1  }
0xa: {  	s5 =	sadd.s32 $0x1C00, s7;
	s6 =	sadd.s32 $0x5AC00, s7;
	s7 =	sadd.s32 $0x64E00, s7  }
.LBB2_1:
0xb: {  	[tilespmem:s3], [sflag:$0x1] =	stream.linear.gather [hbm4b:s2+s3], $0x2710, $0x38;
	[tilespmem:$0x8BA0] =	vst v63  }
0xc: {  	_ =	swait.ge [sflag:s9], $0x2710  }
0xd: {  	[sflag:s9] =	ssyncset.done $0x0  }
0xe: {  	[sflag:s9] =	ssyncadd.s32 $0xFFFFD8F0  }
0xf: {  	[tilespmem:s10], [sflag:$0x1] =	stream.linear.gather [hbm4b:s4+s3], $0x2710, $0x38;
	[tilespmem:$0x8BA0] =	vst v63  }
0x10: {  	_ =	swait.ge [sflag:s9], $0x2710  }
0x11: {  	[sflag:s9] =	ssyncset.done $0x0  }
0x12: {  	s15 =	simm.s32 $0x0;
	[sflag:s9] =	ssyncadd.s32 $0xFFFFD8F0  }
0x13: {  	s16 =	simm.s32 $0x40;
	v0 =	vld [tilespmem:s15+$0x0]  }
.LBB2_2:
0x14: {  	p0 =	sne.s32 s16, $0x9C00;
	v1 =	vld [tilespmem:s15+$0x2710];
	_ =	sdelay $0x2  }
.Ltmp0:
0x15: {  	(pc) =	sbr.rel @p0 .LBB2_2-.Ltmp0, $4  }
0x16: {  	_ = 	snop  }
0x17: {  	v1 =	vadd.f32 v0, v1  }
0x18: {  	s17 =	sshra.s32 s16, $0x2  }
0x19: {  	s16 =	sadd.s32 $0x40, s16;
	v0 =	vld [tilespmem:s17+$0x0];
	[tilespmem:s15+$0x2710] =	vst v1;
	s15 =	smov.u32 s17  }
0x1a: {  	v1 =	vld [tilespmem:s15+$0x2710];
	_ =	sdelay $0x4  }
0x1b: {  	v0 =	vadd.f32 v0, v1;
	_ =	sdelay $0x1  }
0x1c: {  	[tilespmem:s15+$0x2710] =	vst v0  }
0x1d: {  	[tilespmem:s11], [sflag:$0x1] =	stream.linear.gather [hbm4b:s5+s3], $0x1480, $0x38;
	[tilespmem:$0x8BA0] =	vst v63  }
0x1e: {  	_ =	swait.ge [sflag:s9], $0x1480  }
0x1f: {  	[sflag:s9] =	ssyncset.done $0x0  }
0x20: {  	[sflag:s9] =	ssyncadd.s32 $0xFFFFEB80  }
0x21: {  	[tilespmem:s12], [sflag:$0x1] =	stream.linear.gather [hbm4b:s6+s3], $0x1480, $0x38;
	[tilespmem:$0x8BA0] =	vst v63  }
0x22: {  	_ =	swait.ge [sflag:s9], $0x1480  }
0x23: {  	[sflag:s9] =	ssyncset.done $0x0  }
0x24: {  	s29 =	simm.s32 $0x4E40;
	[sflag:s9] =	ssyncadd.s32 $0xFFFFEB80  }
0x25: {  	v0 =	vld [tilespmem:s29+$0x10]  }
0x26: {  	v1 =	vld [tilespmem:s29+$0xFFFFFFF0];
	_ =	sdelay $0x2  }
0x27: {  	v2 =	vld [tilespmem:s29+$0xFFFFFFE0];
	_ =	sdelay $0x1  }
0x28: {  	s30 =	simm.s32 $0x4E80;
	v3 =	vld [tilespmem:s29+$0x0]  }
0x29: {  	v4 =	vld [tilespmem:s30+$0x10]  }
0x2a: {  	v0 =	vld.idx.msk [tilespmem:v0+s10+$0x0], $0xffff  }
0x2b: {  	v1 =	vld.idx.msk [tilespmem:v1+s10+$0x0], $0xffff  }
0x2c: {  	v5 =	vld [tilespmem:s30+$0xFFFFFFF0]  }
0x2d: {  	v6 =	vld [tilespmem:s30+$0xFFFFFFE0]  }
0x2e: {  	v2 =	vld.idx.msk [tilespmem:v2+s10+$0x0], $0xffff  }
0x2f: {  	v7 =	vld [tilespmem:s30+$0x0];
	v0 =	vadd.f32 $1.000000020e-16, v0  }
0x30: {  	s31 =	simm.s32 $0x62C0;
	v3 =	vld.idx.msk [tilespmem:v3+s10+$0x0], $0xffff;
	v1 =	vadd.f32 $1.000000020e-16, v1  }
0x31: {  	v8 =	vld [tilespmem:s31+$0x10];
	(erf) = vrcp.f32 v0  }
0x32: {  	s16 =	simm.s32 $0x4EC0;
	v4 =	vld.idx.msk [tilespmem:v4+s10+$0x0], $0xffff;
	(erf) = vrcp.f32 v1  }
0x33: {  	v10 =	vld [tilespmem:s16+$0xFFFFFFE0];
	v0 =	vadd.f32 $1.000000020e-16, v2  }
0x34: {  	v5 =	vld.idx.msk [tilespmem:v5+s10+$0x0], $0xffff  }
0x35: {  	v2 =	vld.idx.msk [tilespmem:v6+s10+$0x0], $0xffff;
	v1 =	vadd.f32 $1.000000020e-16, v3;
	(erf) = vrcp.f32 v0  }
0x36: {  	v3 =	vld [tilespmem:s16+$0x10]  }
0x37: {  	v4 =	vadd.f32 $1.000000020e-16, v4;
	v6 =	vld [tilespmem:s16+$0xFFFFFFF0];
	(erf) = vrcp.f32 v1  }
0x38: {  	v11 =	vld [tilespmem:s31+$0xFFFFFFE0]  }
0x39: {  	v12 =	vld [tilespmem:s31+$0xFFFFFFF0];
	v5 =	vadd.f32 $1.000000020e-16, v5;
	(erf) = vrcp.f32 v4  }
0x3a: {  	v7 =	vld.idx.msk [tilespmem:v7+s10+$0x0], $0xffff;
	v4 =	vadd.f32 $1.000000020e-16, v2;
	v9 =	vpop (erf)  }
0x3b: {  	v0 =	vld [tilespmem:s16+$0x0];
	v13 =	vpop (erf);
	(erf) = vrcp.f32 v5  }
0x3c: {  	s16 =	simm.s32 $0x6300;
	v1 =	vld [tilespmem:s31+$0x0];
	(erf) = vrcp.f32 v4  }
0x3d: {  	v2 =	vld [tilespmem:s16+$0x10];
	v8 =	vmul.f32 v9, v8  }
0x3e: {  	s15 =	simm.s32 $0x7740;
	v3 =	vld.idx.msk [tilespmem:v3+s10+$0x0], $0xffff;
	v5 =	vpop (erf)  }
0x3f: {  	v9 =	vadd.f32 $1.000000020e-16, v7;
	v4 =	vld.idx.msk [tilespmem:v6+s10+$0x0], $0xffff;
	[tilespmem:s15+$0x10] =	vst v8;
	v8 =	vmul.f32 v5, v11  }
0x40: {  	s17 =	simm.s32 $0x8;
	s18 =	simm.s32 $0x4F00;
	v7 =	vmul.f32 v13, v12;
	v6 =	vpop (erf);
	v5 =	vld.idx.msk [tilespmem:v10+s10+$0x0], $0xffff  }
.LBB2_4:
0x41: {  	v10 =	vld [tilespmem:s18+$0x10];
	s17 =	sadd.s32 $0x4, s17;
	(erf) = vrcp.f32 v9;
	[tilespmem:s15+$0xFFFFFFE0] =	vst v8;
	v1 =	vmul.f32 v6, v1  }
0x42: {  	v8 =	vld [tilespmem:s18+$0xFFFFFFF0];
	p0 =	slt.u32 s17, $0x144;
	v6 =	vpop (erf);
	[tilespmem:s15+$0xFFFFFFF0] =	vst v7  }
0x43: {  	v3 =	vadd.f32 $1.000000020e-16, v3;
	v7 =	vld [tilespmem:s18+$0x0];
	v2 =	vmul.f32 v6, v2;
	[tilespmem:s15+$0x0] =	vst v1  }
0x44: {  	s15 =	sadd.s32 $0x40, s15;
	v11 =	vld [tilespmem:s18+$0xFFFFFFE0];
	v12 =	vpop (erf)  }
0x45: {  	v1 =	vadd.f32 $1.000000020e-16, v4;
	v9 =	vld.idx.msk [tilespmem:v0+s10+$0x0], $0xffff;
	(erf) = vrcp.f32 v3;
	[tilespmem:s15+$0x10] =	vst v2;
	v13 =	vpop (erf)  }
0x46: {  	v2 =	vadd.f32 $1.000000020e-16, v5;
	v5 =	vld [tilespmem:s16+$0xFFFFFFE0]  }
0x47: {  	(erf) = vrcp.f32 v1;
	v14 =	vld [tilespmem:s16+$0xFFFFFFF0]  }
.Ltmp1:
0x48: {  	(erf) = vrcp.f32 v2;
	v1 =	vld [tilespmem:s16+$0x0];
	v0 =	vmov v7;
	(pc) =	sbr.rel @p0 .LBB2_4-.Ltmp1, $4  }
0x49: {  	s16 =	sadd.s32 $0x40, s16;
	v3 =	vld.idx.msk [tilespmem:v10+s10+$0x0], $0xffff  }
0x4a: {  	v2 =	vld [tilespmem:s16+$0x10];
	v6 =	vpop (erf)  }
0x4b: {  	v9 =	vadd.f32 $1.000000020e-16, v9;
	v4 =	vld.idx.msk [tilespmem:v8+s10+$0x0], $0xffff;
	v8 =	vmul.f32 v13, v5  }
0x4c: {  	s18 =	sadd.s32 $0x40, s18;
	v5 =	vld.idx.msk [tilespmem:v11+s10+$0x0], $0xffff;
	v7 =	vmul.f32 v12, v14  }
0x4d: {  	_ =	sdelay $0x3  }
0x4e: {  	v0 =	vld.idx.msk [tilespmem:v0+s10+$0x0], $0xffff;
	_ =	sdelay $0x1  }
0x4f: {  	v3 =	vadd.f32 $1.000000020e-16, v3  }
0x50: {  	(erf) = vrcp.f32 v9;
	v4 =	vadd.f32 $1.000000020e-16, v4  }
0x51: {  	(erf) = vrcp.f32 v3;
	v42 =	vadd.f32 $1.000000020e-16, v5  }
0x52: {  	v43 =	vld [tilespmem:s16+$0xFFFFFFE0];
	(erf) = vrcp.f32 v4;
	v0 =	vadd.f32 $1.000000020e-16, v0  }
0x53: {  	v44 =	vld [tilespmem:s16+$0xFFFFFFF0];
	(erf) = vrcp.f32 v42  }
0x54: {  	v45 =	vpop (erf);
	(erf) = vrcp.f32 v0  }
0x55: {  	v46 =	vld [tilespmem:s16+$0x0];
	s30 =	sadd.s32 $0x40, s16;
	v47 =	vpop (erf)  }
0x56: {  	[tilespmem:s15+$0xFFFFFFE0] =	vst v8;
	v1 =	vmul.f32 v6, v1;
	v48 =	vld [tilespmem:s30+$0x10];
	v49 =	vpop (erf)  }
0x57: {  	[tilespmem:s15+$0xFFFFFFF0] =	vst v7;
	v53 =	vld [tilespmem:s30+$0xFFFFFFF0];
	v52 =	vmul.f32 v49, v43  }
0x58: {  	s31 =	sadd.s32 $0x40, s15;
	v50 =	vld [tilespmem:s30+$0xFFFFFFE0];
	[tilespmem:s15+$0x0] =	vst v1;
	v54 =	vmul.f32 v47, v44  }
0x59: {  	v56 =	vld [tilespmem:s30+$0x0];
	v0 =	vmul.f32 v45, v2;
	[tilespmem:s31+$0xFFFFFFE0] =	vst v52;
	v51 =	vpop (erf)  }
0x5a: {  	[tilespmem:s31+$0xFFFFFFF0] =	vst v54;
	v57 =	vmul.f32 v51, v46;
	v55 =	vpop (erf)  }
0x5b: {  	[tilespmem:s31+$0x10] =	vst v0;
	v59 =	vmul.f32 v55, v48;
	v58 =	vpop (erf)  }
0x5c: {  	s15 =	sadd.s32 $0x40, s31;
	[tilespmem:s31+$0x0] =	vst v57;
	v60 =	vpop (erf);
	v63 =	vmul.f32 v58, v53  }
0x5d: {  	[tilespmem:s15+$0x10] =	vst v59;
	v61 =	vmul.f32 v60, v50;
	v62 =	vpop (erf)  }
0x5e: {  	s14 =	sadd.s32 $0x1, s14;
	v0 =	vmul.f32 v62, v56;
	[tilespmem:s15+$0xFFFFFFF0] =	vst v63  }
0x5f: {  	p0 =	sne.s32 s14, s8;
	[tilespmem:s15+$0xFFFFFFE0] =	vst v61  }
.Ltmp2:
0x60: {  	[tilespmem:s15+$0x0] =	vst v0;
	(pc) =	sbr.rel @p0 .LBB2_1-.Ltmp2, $4  }
0x61: {  	[hbm4b:s7+s3] =	stream.linear.scatter [tilespmem:s13], [sflag:$0x1], $0x1480, $0x38;
	[tilespmem:$0x8BA0] =	vst v63  }
0x62: {  	_ =	swait.ge [sflag:s9], $0x1480  }
0x63: {  	[sflag:s9] =	ssyncset.done $0x0  }
0x64: {  	[sflag:s9] =	ssyncadd.s32 $0xFFFFEB80  }
0x65: {  	_ =	sfence.sel $0x180000  }
0x66: {  	[bflag:$0x0] =	sbarrier.arrive $0xFFFF  }
0x67: {  	p0 =	sne.s32 s0, $0x0;
	_ =	strace $0x9000004A  }
0x68: {  	s0 =	sadd.s32 @!p0 $0x100000, s1;
	[bflag:$0x2] =	sbarrier.arrive $0xFFFF  }
0x69: {  	[sflag:s0] =	ssyncadd.tile.s32 @!p0 $0x1;
	_ =	shalt  }
.Lfunc_end2:
_tile_overlayer_lowered:
.L_overlay_start_2:
0x6a: {  	(tag) =	ssettag $0x2  }
0x6b: {  	s0 =	rddreg [dreg:$0x0];
	s2 =	stileid.u32  }
0x6c: {  	s1 =	rddreg [dreg:$0x1];
	p0 =	sne.s32 s2, $0x0  }
0x6d: {  	s3 =	rddreg [dreg:$0x2];
	[bflag:$0x3] =	sbarrier.arrive $0xFFFF;
	s2 =	simm.s32 @!p0 $0x1C01  }
0x6e: {  	[timem:s3], [sflag:s2] =	dma.local @!p0 [hbm:s0], s1  }
0x6f: {  	s0 =	simm.s32 @!p0 $0x1  }
0x70: {  	_ =	swait.ge @!p0 [sflag:s0], s1  }
0x71: {  	s1 =	ssub.s32 @!p0 $0x0, s1;
	[sflag:s0] =	ssyncset.done @!p0 $0x0  }
0x72: {  	[sflag:s0] =	ssyncadd.s32 @!p0 s1  }
0x73: {  	[bflag:$0x3] =	sbarrier.arrive $0xFFFF  }
0x74: {  	_ =	shalt  }

</sc_bundles>
